<compile_context>
chip_gen: v7x
topology: tpu7x:2x2x1
jax: 0.10.2.dev20260603
libtpu: 0.0.44.dev20260713+nightly
codegen_flags: <defaults>
</compile_context>

<pallas_src>
import functools

import jax
import jax.numpy as jnp
from jax import lax
from jax.experimental import pallas as pl
from jax.experimental.pallas import tpu as pltpu
from jax.experimental.pallas import tpu_sc as plsc

_B, _L, _D, _EDIM, _VOCAB, _FR = 16, 2048, 256, 64, 50, 128
_N = _B * _L
_DW = _D // 2
_NW = 32
_RPW = _N // _NW
_C = 128
_NCH = _RPW // _C


def _leaky(x):
    return jnp.where(x >= 0, x, 0.01 * x)



def _stage1_body(h_ref, head_ref, tp_ref, W1_ref, b1_ref, Wc_ref, emb_ref,
                 We_ref, A_ref, SE_ref, idx_ref):
    b = pl.program_id(0)
    h = h_ref[0].astype(jnp.bfloat16)
    x = jnp.dot(h, W1_ref[:].astype(jnp.bfloat16),
                preferred_element_type=jnp.float32) + b1_ref[:]
    xg = _leaky(x).astype(jnp.bfloat16)
    AS = jnp.dot(xg, Wc_ref[:].astype(jnp.bfloat16),
                 preferred_element_type=jnp.float32)
    A_ref[0] = AS[:, :_D].astype(jnp.bfloat16)
    T = jnp.dot(emb_ref[:], We_ref[:], preferred_element_type=jnp.float32)
    tp = tp_ref[0, 0]
    ohe = (tp[:, None] == jax.lax.broadcasted_iota(jnp.int32, (_L, _VOCAB), 1)
           ).astype(jnp.float32)
    SE_ref[0] = (AS[:, _D:] + jnp.dot(ohe, T, preferred_element_type=jnp.float32)
                 ).astype(jnp.bfloat16)
    idx_ref[0] = head_ref[0] + b * _L


def _run_stage1(h, head, tp, W1, b1, Wc, emb, We):
    head3 = head.astype(jnp.int32).reshape(_B, 1, _L)
    tp3 = tp.astype(jnp.int32).reshape(_B, 1, _L)
    full = lambda *s: pl.BlockSpec(s, lambda b: (0,) * len(s))
    A, SE, idx = pl.pallas_call(
        _stage1_body,
        grid=(_B,),
        in_specs=[
            pl.BlockSpec((1, _L, _D), lambda b: (b, 0, 0)),
            pl.BlockSpec((1, 1, _L), lambda b: (b, 0, 0)),
            pl.BlockSpec((1, 1, _L), lambda b: (b, 0, 0)),
            full(_D, _D),
            full(1, _D),
            full(_D, 2 * _D),
            full(_VOCAB, _EDIM),
            full(_EDIM, _D),
        ],
        out_specs=[
            pl.BlockSpec((1, _L, _D), lambda b: (b, 0, 0)),
            pl.BlockSpec((1, _L, _D), lambda b: (b, 0, 0)),
            pl.BlockSpec((1, 1, _L), lambda b: (b, 0, 0)),
        ],
        out_shape=[
            jax.ShapeDtypeStruct((_B, _L, _D), jnp.bfloat16),
            jax.ShapeDtypeStruct((_B, _L, _D), jnp.bfloat16),
            jax.ShapeDtypeStruct((_B, 1, _L), jnp.int32),
        ],
        compiler_params=pltpu.CompilerParams(
            dimension_semantics=("arbitrary",)),
    )(h, head3, tp3, W1, b1.reshape(1, _D), Wc, emb, We)
    A32 = lax.bitcast_convert_type(A.reshape(_N, _DW, 2), jnp.int32)
    return A32, SE, idx.reshape(_N)



def _sc_gather(Ax, idxx, Ay, idxy):
    mesh = plsc.VectorSubcoreMesh(core_axis_name="c", subcore_axis_name="s")

    @functools.partial(
        pl.kernel,
        mesh=mesh,
        out_type=[
            jax.ShapeDtypeStruct((_N, _DW), jnp.int32),
            jax.ShapeDtypeStruct((_N, _DW), jnp.int32),
        ],
        scratch_types=[
            pltpu.VMEM((_C,), jnp.int32),
            pltpu.VMEM((_C, _DW), jnp.int32),
            pltpu.SemaphoreType.DMA,
        ],
        compiler_params=pltpu.CompilerParams(use_tc_tiling_on_sc=True),
    )
    def run(Ax_h, ix_h, Ay_h, iy_h, gx_h, gy_h, idxv, gv, sem):
        cid = lax.axis_index("c")
        sid = lax.axis_index("s")
        wid = sid * 2 + cid
        base = wid * _RPW
        for A_h, i_h, g_h in ((Ax_h, ix_h, gx_h), (Ay_h, iy_h, gy_h)):
            def chunk(i, carry):
                off = base + i * _C
                pltpu.sync_copy(i_h.at[pl.ds(off, _C)], idxv)
                pltpu.async_copy(A_h.at[idxv], gv, sem).wait()
                pltpu.sync_copy(gv, g_h.at[pl.ds(off, _C)])
                return carry
            lax.fori_loop(0, _NCH, chunk, 0)

    return run(Ax, idxx, Ay, idxy)



def _stage3_body(G_ref, SE_ref, frW_ref, frb_ref, out_ref):
    O = G_ref[0].astype(jnp.float32) + SE_ref[0].astype(jnp.float32)
    ss = jnp.sum(O * O, axis=1, keepdims=True)
    scale = 1.0 / jnp.maximum(jnp.sqrt(ss), 1e-12)
    rep = jnp.sum(O * scale, axis=0, keepdims=True) * (1.0 / _L)
    r = jnp.dot(rep, frW_ref[:], preferred_element_type=jnp.float32) + frb_ref[:]
    out_ref[0] = _leaky(r)


def _run_stage3(G, SE, frW, frb):
    full = lambda *s: pl.BlockSpec(s, lambda b: (0,) * len(s))
    out = pl.pallas_call(
        _stage3_body,
        grid=(_B,),
        in_specs=[
            pl.BlockSpec((1, _L, _D), lambda b: (b, 0, 0)),
            pl.BlockSpec((1, _L, _D), lambda b: (b, 0, 0)),
            full(_D, _FR),
            full(1, _FR),
        ],
        out_specs=pl.BlockSpec((1, 1, _FR), lambda b: (b, 0, 0)),
        out_shape=jax.ShapeDtypeStruct((_B, 1, _FR), jnp.float32),
        compiler_params=pltpu.CompilerParams(
            dimension_semantics=("arbitrary",)),
    )(G, SE, frW, frb.reshape(1, _FR))
    return out


def kernel(h_x, x_mask, src_token_dense_mask, src_token_sparse_mask,
           src_token_inarc_type, src_token_arc_head, src_token_depth,
           src_word_inarc_type, src_word_inarc_type_mask, h_y, y_mask,
           tgt_token_dense_mask, tgt_token_sparse_mask, tgt_token_inarc_type,
           tgt_token_arc_head, tgt_token_depth, tgt_word_inarc_type,
           tgt_word_inarc_type_mask, src_W, src_b, tgt_W, tgt_b, inarc_emb,
           W_msg, W_edge, W_skip, fr_W, fr_b):
    Wc = jnp.concatenate([W_msg, W_skip], axis=1)
    src_tp = src_word_inarc_type * src_word_inarc_type_mask
    tgt_tp = tgt_word_inarc_type * tgt_word_inarc_type_mask
    Ax, SEx, idxx = _run_stage1(h_x, src_token_arc_head, src_tp, src_W,
                                src_b, Wc, inarc_emb, W_edge)
    Ay, SEy, idxy = _run_stage1(h_y, tgt_token_arc_head, tgt_tp, tgt_W,
                                tgt_b, Wc, inarc_emb, W_edge)
    Gx32, Gy32 = _sc_gather(Ax, idxx, Ay, idxy)
    to_bf = lambda g: lax.bitcast_convert_type(
        g, jnp.bfloat16).reshape(_B, _L, _D)
    ox = _run_stage3(to_bf(Gx32), SEx, fr_W, fr_b)
    oy = _run_stage3(to_bf(Gy32), SEy, fr_W, fr_b)
    return (ox, oy)

# --- scband reference (transcript-rebuilt; emitter-appended) ---
"""Pipeline reference for scband-factum-81595788689998 (READ-ONLY COPY).

The authoritative reference and input builder live on the scoring server;
editing this copy changes nothing except your own understanding.
"""

import jax, jax.numpy as jnp
import numpy as np

B, L, D, EDIM, VOCAB, FR_OUT = 16, 2048, 256, 64, 50, 128


def setup_inputs(seed: int = 0) -> dict:
    key = jax.random.key(seed)
    ks = jax.random.split(key, 32)
    inp = {}
    inp['h_x'] = jax.random.normal(ks[0], (B, L, D), jnp.float32)
    inp['x_mask'] = jnp.ones((B, L), jnp.float32)
    inp['src_token_dense_mask'] = jnp.ones((B, L), jnp.float32)
    inp['src_token_sparse_mask'] = jnp.ones((B, L), jnp.float32)
    inp['src_token_inarc_type'] = jax.random.randint(ks[1], (B, L), 0, VOCAB)
    inp['src_token_arc_head'] = jax.random.randint(ks[2], (B, L), 0, L)
    inp['src_token_depth'] = jax.random.randint(ks[3], (B, L), 0, 10)
    inp['src_word_inarc_type'] = jax.random.randint(ks[4], (B, L), 0, VOCAB)
    inp['src_word_inarc_type_mask'] = jnp.ones((B, L), jnp.int32)
    inp['h_y'] = jax.random.normal(ks[5], (B, L, D), jnp.float32)
    inp['y_mask'] = jnp.ones((B, L), jnp.float32)
    inp['tgt_token_dense_mask'] = jnp.ones((B, L), jnp.float32)
    inp['tgt_token_sparse_mask'] = jnp.ones((B, L), jnp.float32)
    inp['tgt_token_inarc_type'] = jax.random.randint(ks[6], (B, L), 0, VOCAB)
    inp['tgt_token_arc_head'] = jax.random.randint(ks[7], (B, L), 0, L)
    inp['tgt_token_depth'] = jax.random.randint(ks[8], (B, L), 0, 10)
    inp['tgt_word_inarc_type'] = jax.random.randint(ks[9], (B, L), 0, VOCAB)
    inp['tgt_word_inarc_type_mask'] = jnp.ones((B, L), jnp.int32)
    s = 0.02
    inp['src_W'] = jax.random.normal(ks[10], (D, D), jnp.float32) * s
    inp['src_b'] = jnp.zeros((D,), jnp.float32)
    inp['tgt_W'] = jax.random.normal(ks[11], (D, D), jnp.float32) * s
    inp['tgt_b'] = jnp.zeros((D,), jnp.float32)
    inp['inarc_emb'] = jax.random.normal(ks[12], (VOCAB, EDIM), jnp.float32) * s
    inp['W_msg'] = jax.random.normal(ks[13], (D, D), jnp.float32) * s
    inp['W_edge'] = jax.random.normal(ks[14], (EDIM, D), jnp.float32) * s
    inp['W_skip'] = jax.random.normal(ks[15], (D, D), jnp.float32) * s
    inp['fr_W'] = jax.random.normal(ks[16], (D, FR_OUT), jnp.float32) * s
    inp['fr_b'] = jnp.zeros((FR_OUT,), jnp.float32)
    return inp


def _side(h, attn_mask, dense_m, sparse_m, tok_type, arc_head, depth, w_type, w_type_mask,
          mlp_W, mlp_b, inarc_emb, W_msg, W_edge, W_skip, fr_W, fr_b):
    Bh, Lh, Dh = h.shape
    # convert_to_weighting_factor(depth, sparse*dense): computed as in the torch code
    node_weight = (sparse_m * dense_m) / (depth.astype(jnp.float32) + 1.0)
    # src/tgt MLP with leaky_relu
    Xg = jax.nn.leaky_relu(jnp.einsum('bld,de->ble', h, mlp_W) + mlp_b)
    # dep_indexer + transform.make_edges: flat node indexing, edge head -> token
    offs = (jnp.arange(Bh) * Lh)[:, None]
    dst = (offs + jnp.arange(Lh)[None, :]).reshape(-1)
    src = (offs + arc_head).reshape(-1)
    # inarc embedding lookup + flat_gather (all positions kept under all-ones mask)
    ef = jnp.take(inarc_emb, (w_type * w_type_mask).reshape(-1), axis=0)
    # transform.debatch
    x_flat = Xg.reshape(-1, Dh)
    _ = node_weight.reshape(-1, 1)  # debatched node weight (unused by GeneralConv path)
    # GeneralConv: directed messages + edge features, skip linear, scatter-add aggregation, l2 normalize
    msg = jnp.take(x_flat, src, axis=0) @ W_msg + ef @ W_edge
    aggr = jnp.zeros_like(x_flat).at[dst].add(msg)
    out = aggr + x_flat @ W_skip
    out = out / jnp.maximum(jnp.linalg.norm(out, axis=-1, keepdims=True), 1e-12)
    rep = out.reshape(Bh, Lh, Dh)
    # FeatureRepr: mean over seq dim, then MLP
    rep = jnp.mean(rep, axis=1, keepdims=True)
    rep = jax.nn.leaky_relu(rep @ fr_W + fr_b)
    return rep


def reference(h_x, x_mask, src_token_dense_mask, src_token_sparse_mask, src_token_inarc_type,
              src_token_arc_head, src_token_depth, src_word_inarc_type, src_word_inarc_type_mask,
              h_y, y_mask, tgt_token_dense_mask, tgt_token_sparse_mask, tgt_token_inarc_type,
              tgt_token_arc_head, tgt_token_depth, tgt_word_inarc_type, tgt_word_inarc_type_mask,
              src_W, src_b, tgt_W, tgt_b, inarc_emb, W_msg, W_edge, W_skip, fr_W, fr_b):
    src_repr = _side(h_x, x_mask, src_token_dense_mask, src_token_sparse_mask,
                     src_token_inarc_type, src_token_arc_head, src_token_depth,
                     src_word_inarc_type, src_word_inarc_type_mask,
                     src_W, src_b, inarc_emb, W_msg, W_edge, W_skip, fr_W, fr_b)
    y_repr = _side(h_y, y_mask, tgt_token_dense_mask, tgt_token_sparse_mask,
                   tgt_token_inarc_type, tgt_token_arc_head, tgt_token_depth,
                   tgt_word_inarc_type, tgt_word_inarc_type_mask,
                   tgt_W, tgt_b, inarc_emb, W_msg, W_edge, W_skip, fr_W, fr_b)
    return (src_repr, y_repr)

if __name__ == "__main__":
    import jax
    _d = setup_inputs()
    print(jax.jit(kernel)(*tuple(_d.values())))

</pallas_src>

<mosaic_0001>
#map = affine_map<(d0, d1) -> (0, 0)>
#map1 = affine_map<(d0, d1) -> (0)>
module attributes {stable_mosaic.version = 14 : i64} {
  func.func @run(%arg0: i32, %arg1: i32, %arg2: memref<32768x128xi32, #tpu.memory_space<hbm>>, %arg3: memref<32768xi32, #tpu.memory_space<hbm>>, %arg4: memref<32768x128xi32, #tpu.memory_space<hbm>>, %arg5: memref<32768xi32, #tpu.memory_space<hbm>>, %arg6: memref<32768x128xi32, #tpu.memory_space<hbm>>, %arg7: memref<32768x128xi32, #tpu.memory_space<hbm>>, %arg8: memref<128xi32, #tpu.memory_space<vmem>>, %arg9: memref<128x128xi32, #tpu.memory_space<vmem>>, %arg10: memref<!tpu.dma_semaphore, #tpu.memory_space<semaphore_mem>>) attributes {dimension_semantics = [#tpu.dimension_semantics<core_parallel>, #tpu.dimension_semantics<subcore_parallel>], iteration_bounds = array<i64: 2, 16>, scalar_prefetch = 0 : i64, scratch_operands = 3 : i64, tpu.core_type = #tpu.core_type<sc_vector_subcore>, window_params = [{transform_indices = #map}, {transform_indices = #map1}, {transform_indices = #map}, {transform_indices = #map1}, {transform_indices = #map}, {transform_indices = #map}]} {
    %mul3A = arith.constant 2 : i32
    %mul3A_0 = arith.muli %arg1, %mul3A : i32
    %add3A = arith.addi %mul3A_0, %arg0 : i32
    %mul3A_1 = arith.constant 1024 : i32
    %mul3A_2 = arith.muli %add3A, %mul3A_1 : i32
    %scan3A = arith.constant 0 : i32
    %scan3A_3 = arith.constant 0 : i32
    %scan3A_4 = arith.constant 8 : i32
    %scan3A_5 = arith.addi %scan3A_3, %scan3A_4 : i32
    %scan3A_6 = arith.constant 1 : i32
    scf.for %scan3A_14 = %scan3A_3 to %scan3A_5 step %scan3A_6  : i32 {
      %mul3A_15 = arith.constant 128 : i32
      %mul3A_16 = arith.muli %scan3A_14, %mul3A_15 : i32
      %add3A_17 = arith.addi %mul3A_2, %mul3A_16 : i32
      "tpu.region"() ({
        %run_scoped3A = tpu.sem_alloc : memref<!tpu.dma_semaphore, #tpu.memory_space<semaphore_mem>>
        %dma_start3A_22 = tpu.memref_slice %arg3[%add3A_17] : memref<32768xi32, #tpu.memory_space<hbm>> -> memref<128xi32, #tpu.memory_space<hbm>>
        %dma_start3A_23 = tpu.memref_slice %arg3[%add3A_17] : memref<32768xi32, #tpu.memory_space<hbm>> -> memref<128xi32, #tpu.memory_space<hbm>>
        tpu.enqueue_dma source(%dma_start3A_23 : memref<128xi32, #tpu.memory_space<hbm>>) target(%arg8 : memref<128xi32, #tpu.memory_space<vmem>>) target_semaphore(%run_scoped3A : memref<!tpu.dma_semaphore, #tpu.memory_space<semaphore_mem>>)
        %dma_wait3A_24 = tpu.memref_slice %arg3[%add3A_17] : memref<32768xi32, #tpu.memory_space<hbm>> -> memref<128xi32, #tpu.memory_space<hbm>>
        %dma_wait3A_25 = tpu.memref_slice %arg3[%add3A_17] : memref<32768xi32, #tpu.memory_space<hbm>> -> memref<128xi32, #tpu.memory_space<hbm>>
        tpu.wait_dma2 semaphore(%run_scoped3A : memref<!tpu.dma_semaphore, #tpu.memory_space<semaphore_mem>>) src(%dma_wait3A_25 : memref<128xi32, #tpu.memory_space<hbm>>) dst(%arg8 : memref<128xi32, #tpu.memory_space<vmem>>)
        tpu.yield
      }) : () -> ()
      %dma_start3A = arith.constant 0 : i32
      %dma_start3A_18 = arith.constant 0 : i32
      %dma_start3A_19 = tpu.memref_slice %arg2[%dma_start3A, %dma_start3A_18] : memref<32768x128xi32, #tpu.memory_space<hbm>> -> memref<32768x128xi32, #tpu.memory_space<hbm>>
      tpu.enqueue_indirect_dma source(%dma_start3A_19 : memref<32768x128xi32, #tpu.memory_space<hbm>>) target(%arg9 : memref<128x128xi32, #tpu.memory_space<vmem>>) offsets(%arg8 : memref<128xi32, #tpu.memory_space<vmem>>) semaphore(%arg10 : memref<!tpu.dma_semaphore, #tpu.memory_space<semaphore_mem>>)
      %dma_wait3A = arith.constant 0 : i32
      %dma_wait3A_20 = arith.constant 0 : i32
      %dma_wait3A_21 = tpu.memref_slice %arg2[%dma_wait3A, %dma_wait3A_20] : memref<32768x128xi32, #tpu.memory_space<hbm>> -> memref<32768x128xi32, #tpu.memory_space<hbm>>
      tpu.wait_indirect_dma semaphore(%arg10 : memref<!tpu.dma_semaphore, #tpu.memory_space<semaphore_mem>>) src(%dma_wait3A_21 : memref<32768x128xi32, #tpu.memory_space<hbm>>) dst(%arg9 : memref<128x128xi32, #tpu.memory_space<vmem>>)
      "tpu.region"() ({
        %run_scoped3A = tpu.sem_alloc : memref<!tpu.dma_semaphore, #tpu.memory_space<semaphore_mem>>
        %dma_start3A_22 = arith.constant 0 : i32
        %dma_start3A_23 = tpu.memref_slice %arg6[%add3A_17, %dma_start3A_22] : memref<32768x128xi32, #tpu.memory_space<hbm>> -> memref<128x128xi32, #tpu.memory_space<hbm>>
        %dma_start3A_24 = arith.constant 0 : i32
        %dma_start3A_25 = tpu.memref_slice %arg6[%add3A_17, %dma_start3A_24] : memref<32768x128xi32, #tpu.memory_space<hbm>> -> memref<128x128xi32, #tpu.memory_space<hbm>>
        tpu.enqueue_dma source(%arg9 : memref<128x128xi32, #tpu.memory_space<vmem>>) target(%dma_start3A_25 : memref<128x128xi32, #tpu.memory_space<hbm>>) target_semaphore(%run_scoped3A : memref<!tpu.dma_semaphore, #tpu.memory_space<semaphore_mem>>)
        %dma_wait3A_26 = arith.constant 0 : i32
        %dma_wait3A_27 = tpu.memref_slice %arg6[%add3A_17, %dma_wait3A_26] : memref<32768x128xi32, #tpu.memory_space<hbm>> -> memref<128x128xi32, #tpu.memory_space<hbm>>
        %dma_wait3A_28 = arith.constant 0 : i32
        %dma_wait3A_29 = tpu.memref_slice %arg6[%add3A_17, %dma_wait3A_28] : memref<32768x128xi32, #tpu.memory_space<hbm>> -> memref<128x128xi32, #tpu.memory_space<hbm>>
        tpu.wait_dma2 semaphore(%run_scoped3A : memref<!tpu.dma_semaphore, #tpu.memory_space<semaphore_mem>>) src(%arg9 : memref<128x128xi32, #tpu.memory_space<vmem>>) dst(%dma_wait3A_29 : memref<128x128xi32, #tpu.memory_space<hbm>>)
        tpu.yield
      }) : () -> ()
    }
    %scan3A_7 = arith.constant 8 : i32
    %scan3A_8 = arith.constant 0 : i32
    %scan3A_9 = arith.constant 0 : i32
    %scan3A_10 = arith.constant 8 : i32
    %scan3A_11 = arith.addi %scan3A_9, %scan3A_10 : i32
    %scan3A_12 = arith.constant 1 : i32
    scf.for %scan3A_14 = %scan3A_9 to %scan3A_11 step %scan3A_12  : i32 {
      %mul3A_15 = arith.constant 128 : i32
      %mul3A_16 = arith.muli %scan3A_14, %mul3A_15 : i32
      %add3A_17 = arith.addi %mul3A_2, %mul3A_16 : i32
      "tpu.region"() ({
        %run_scoped3A = tpu.sem_alloc : memref<!tpu.dma_semaphore, #tpu.memory_space<semaphore_mem>>
        %dma_start3A_22 = tpu.memref_slice %arg5[%add3A_17] : memref<32768xi32, #tpu.memory_space<hbm>> -> memref<128xi32, #tpu.memory_space<hbm>>
        %dma_start3A_23 = tpu.memref_slice %arg5[%add3A_17] : memref<32768xi32, #tpu.memory_space<hbm>> -> memref<128xi32, #tpu.memory_space<hbm>>
        tpu.enqueue_dma source(%dma_start3A_23 : memref<128xi32, #tpu.memory_space<hbm>>) target(%arg8 : memref<128xi32, #tpu.memory_space<vmem>>) target_semaphore(%run_scoped3A : memref<!tpu.dma_semaphore, #tpu.memory_space<semaphore_mem>>)
        %dma_wait3A_24 = tpu.memref_slice %arg5[%add3A_17] : memref<32768xi32, #tpu.memory_space<hbm>> -> memref<128xi32, #tpu.memory_space<hbm>>
        %dma_wait3A_25 = tpu.memref_slice %arg5[%add3A_17] : memref<32768xi32, #tpu.memory_space<hbm>> -> memref<128xi32, #tpu.memory_space<hbm>>
        tpu.wait_dma2 semaphore(%run_scoped3A : memref<!tpu.dma_semaphore, #tpu.memory_space<semaphore_mem>>) src(%dma_wait3A_25 : memref<128xi32, #tpu.memory_space<hbm>>) dst(%arg8 : memref<128xi32, #tpu.memory_space<vmem>>)
        tpu.yield
      }) : () -> ()
      %dma_start3A = arith.constant 0 : i32
      %dma_start3A_18 = arith.constant 0 : i32
      %dma_start3A_19 = tpu.memref_slice %arg4[%dma_start3A, %dma_start3A_18] : memref<32768x128xi32, #tpu.memory_space<hbm>> -> memref<32768x128xi32, #tpu.memory_space<hbm>>
      tpu.enqueue_indirect_dma source(%dma_start3A_19 : memref<32768x128xi32, #tpu.memory_space<hbm>>) target(%arg9 : memref<128x128xi32, #tpu.memory_space<vmem>>) offsets(%arg8 : memref<128xi32, #tpu.memory_space<vmem>>) semaphore(%arg10 : memref<!tpu.dma_semaphore, #tpu.memory_space<semaphore_mem>>)
      %dma_wait3A = arith.constant 0 : i32
      %dma_wait3A_20 = arith.constant 0 : i32
      %dma_wait3A_21 = tpu.memref_slice %arg4[%dma_wait3A, %dma_wait3A_20] : memref<32768x128xi32, #tpu.memory_space<hbm>> -> memref<32768x128xi32, #tpu.memory_space<hbm>>
      tpu.wait_indirect_dma semaphore(%arg10 : memref<!tpu.dma_semaphore, #tpu.memory_space<semaphore_mem>>) src(%dma_wait3A_21 : memref<32768x128xi32, #tpu.memory_space<hbm>>) dst(%arg9 : memref<128x128xi32, #tpu.memory_space<vmem>>)
      "tpu.region"() ({
        %run_scoped3A = tpu.sem_alloc : memref<!tpu.dma_semaphore, #tpu.memory_space<semaphore_mem>>
        %dma_start3A_22 = arith.constant 0 : i32
        %dma_start3A_23 = tpu.memref_slice %arg7[%add3A_17, %dma_start3A_22] : memref<32768x128xi32, #tpu.memory_space<hbm>> -> memref<128x128xi32, #tpu.memory_space<hbm>>
        %dma_start3A_24 = arith.constant 0 : i32
        %dma_start3A_25 = tpu.memref_slice %arg7[%add3A_17, %dma_start3A_24] : memref<32768x128xi32, #tpu.memory_space<hbm>> -> memref<128x128xi32, #tpu.memory_space<hbm>>
        tpu.enqueue_dma source(%arg9 : memref<128x128xi32, #tpu.memory_space<vmem>>) target(%dma_start3A_25 : memref<128x128xi32, #tpu.memory_space<hbm>>) target_semaphore(%run_scoped3A : memref<!tpu.dma_semaphore, #tpu.memory_space<semaphore_mem>>)
        %dma_wait3A_26 = arith.constant 0 : i32
        %dma_wait3A_27 = tpu.memref_slice %arg7[%add3A_17, %dma_wait3A_26] : memref<32768x128xi32, #tpu.memory_space<hbm>> -> memref<128x128xi32, #tpu.memory_space<hbm>>
        %dma_wait3A_28 = arith.constant 0 : i32
        %dma_wait3A_29 = tpu.memref_slice %arg7[%add3A_17, %dma_wait3A_28] : memref<32768x128xi32, #tpu.memory_space<hbm>> -> memref<128x128xi32, #tpu.memory_space<hbm>>
        tpu.wait_dma2 semaphore(%run_scoped3A : memref<!tpu.dma_semaphore, #tpu.memory_space<semaphore_mem>>) src(%arg9 : memref<128x128xi32, #tpu.memory_space<vmem>>) dst(%dma_wait3A_29 : memref<128x128xi32, #tpu.memory_space<hbm>>)
        tpu.yield
      }) : () -> ()
    }
    %scan3A_13 = arith.constant 8 : i32
    return
  }
}

module attributes {stable_mosaic.version = 14 : i64} {
  func.func @_stage1_body(%arg0: i32, %arg1: memref<1x2048x256xf32, #tpu.memory_space<vmem>>, %arg2: memref<1x1x2048xi32, #tpu.memory_space<vmem>>, %arg3: memref<1x1x2048xi32, #tpu.memory_space<vmem>>, %arg4: memref<256x256xf32, #tpu.memory_space<vmem>>, %arg5: memref<1x256xf32, #tpu.memory_space<vmem>>, %arg6: memref<256x512xf32, #tpu.memory_space<vmem>>, %arg7: memref<50x64xf32, #tpu.memory_space<vmem>>, %arg8: memref<64x256xf32, #tpu.memory_space<vmem>>, %arg9: memref<1x2048x256xbf16, #tpu.memory_space<vmem>>, %arg10: memref<1x2048x256xbf16, #tpu.memory_space<vmem>>, %arg11: memref<1x1x2048xi32, #tpu.memory_space<vmem>>) attributes {dimension_semantics = [#tpu.dimension_semantics<arbitrary>], iteration_bounds = array<i64: 16>, scalar_prefetch = 0 : i64, scratch_operands = 0 : i64, tpu.core_type = #tpu.core_type<tc>, window_params = [{transform_indices = @transform_0, window_bounds = array<i64: 1, 2048, 256>}, {transform_indices = @transform_1, window_bounds = array<i64: 1, 1, 2048>}, {transform_indices = @transform_2, window_bounds = array<i64: 1, 1, 2048>}, {pipeline_mode = #tpu.pipeline_mode<synchronous>, transform_indices = @transform_3, window_bounds = array<i64: 256, 256>}, {pipeline_mode = #tpu.pipeline_mode<synchronous>, transform_indices = @transform_4, window_bounds = array<i64: 1, 256>}, {pipeline_mode = #tpu.pipeline_mode<synchronous>, transform_indices = @transform_5, window_bounds = array<i64: 256, 512>}, {pipeline_mode = #tpu.pipeline_mode<synchronous>, transform_indices = @transform_6, window_bounds = array<i64: 50, 64>}, {pipeline_mode = #tpu.pipeline_mode<synchronous>, transform_indices = @transform_7, window_bounds = array<i64: 64, 256>}, {transform_indices = @transform_8, window_bounds = array<i64: 1, 2048, 256>}, {transform_indices = @transform_9, window_bounds = array<i64: 1, 2048, 256>}, {transform_indices = @transform_10, window_bounds = array<i64: 1, 1, 2048>}]} {
    %get3A = arith.constant 0 : index
    %get3A_0 = arith.constant 0 : index
    %get3A_1 = arith.constant 0 : index
    %get3A_2 = vector.load %arg1[%get3A, %get3A_0, %get3A_1] : memref<1x2048x256xf32, #tpu.memory_space<vmem>>, vector<1x2048x256xf32>
    %get3A_3 = vector.shape_cast %get3A_2 : vector<1x2048x256xf32> to vector<2048x256xf32>
    %convert_element_type3A = arith.truncf %get3A_3 : vector<2048x256xf32> to vector<2048x256xbf16>
    %get3A_4 = arith.constant 0 : index
    %get3A_5 = arith.constant 0 : index
    %get3A_6 = vector.load %arg4[%get3A_4, %get3A_5] : memref<256x256xf32, #tpu.memory_space<vmem>>, vector<256x256xf32>
    %convert_element_type3A_7 = arith.truncf %get3A_6 : vector<256x256xf32> to vector<256x256xbf16>
    %dot_general3A = arith.constant dense<0.000000e+00> : vector<2048x256xf32>
    %dot_general3A_8 = tpu.matmul %convert_element_type3A, %convert_element_type3A_7, %dot_general3A {dimension_numbers = #tpu.dot_dimension_numbers<[1], [0], [0], [1], [0, 0, 1, 1], [], []>, transpose_lhs_hint = false} : vector<2048x256xbf16>, vector<256x256xbf16>, vector<2048x256xf32> -> vector<2048x256xf32>
    %get3A_9 = arith.constant 0 : index
    %get3A_10 = arith.constant 0 : index
    %get3A_11 = vector.load %arg5[%get3A_9, %get3A_10] : memref<1x256xf32, #tpu.memory_space<vmem>>, vector<1x256xf32>
    %add3A = vector.broadcast %get3A_11 : vector<1x256xf32> to vector<2048x256xf32>
    %add3A_12 = arith.addf %dot_general3A_8, %add3A : vector<2048x256xf32>
    %ge3A = arith.constant 0.000000e+00 : f32
    %ge3A_13 = vector.broadcast %ge3A : f32 to vector<2048x256xf32>
    %ge3A_14 = arith.cmpf oge, %add3A_12, %ge3A_13 : vector<2048x256xf32>
    %mul3A = arith.constant 0.00999999977 : f32
    %mul3A_15 = vector.broadcast %mul3A : f32 to vector<2048x256xf32>
    %mul3A_16 = arith.mulf %mul3A_15, %add3A_12 : vector<2048x256xf32>
    %select_n3A = arith.select %ge3A_14, %add3A_12, %mul3A_16 : vector<2048x256xi1>, vector<2048x256xf32>
    %convert_element_type3A_17 = arith.truncf %select_n3A : vector<2048x256xf32> to vector<2048x256xbf16>
    %get3A_18 = arith.constant 0 : index
    %get3A_19 = arith.constant 0 : index
    %get3A_20 = vector.load %arg6[%get3A_18, %get3A_19] : memref<256x512xf32, #tpu.memory_space<vmem>>, vector<256x512xf32>
    %convert_element_type3A_21 = arith.truncf %get3A_20 : vector<256x512xf32> to vector<256x512xbf16>
    %dot_general3A_22 = arith.constant dense<0.000000e+00> : vector<2048x512xf32>
    %dot_general3A_23 = tpu.matmul %convert_element_type3A_17, %convert_element_type3A_21, %dot_general3A_22 {dimension_numbers = #tpu.dot_dimension_numbers<[1], [0], [0], [1], [0, 0, 1, 1], [], []>, transpose_lhs_hint = false} : vector<2048x256xbf16>, vector<256x512xbf16>, vector<2048x512xf32> -> vector<2048x512xf32>
    %slice3A = vector.extract_strided_slice %dot_general3A_23 {offsets = [0, 0], sizes = [2048, 256], strides = [1, 1]} : vector<2048x512xf32> to vector<2048x256xf32>
    %convert_element_type3A_24 = arith.truncf %slice3A : vector<2048x256xf32> to vector<2048x256xbf16>
    %swap3A = arith.constant 0 : index
    %swap3A_25 = arith.constant 0 : index
    %swap3A_26 = arith.constant 0 : index
    %swap3A_27 = vector.load %arg9[%swap3A, %swap3A_25, %swap3A_26] : memref<1x2048x256xbf16, #tpu.memory_space<vmem>>, vector<1x2048x256xbf16>
    %swap3A_28 = vector.shape_cast %swap3A_27 : vector<1x2048x256xbf16> to vector<2048x256xbf16>
    %swap3A_29 = vector.shape_cast %convert_element_type3A_24 : vector<2048x256xbf16> to vector<1x2048x256xbf16>
    tpu.vector_store %arg9[%swap3A, %swap3A_25, %swap3A_26], %swap3A_29 {strides = array<i32>} : memref<1x2048x256xbf16, #tpu.memory_space<vmem>>, vector<1x2048x256xbf16>,
    %get3A_30 = arith.constant 0 : index
    %get3A_31 = arith.constant 0 : index
    %get3A_32 = vector.load %arg7[%get3A_30, %get3A_31] : memref<50x64xf32, #tpu.memory_space<vmem>>, vector<50x64xf32>
    %get3A_33 = arith.constant 0 : index
    %get3A_34 = arith.constant 0 : index
    %get3A_35 = vector.load %arg8[%get3A_33, %get3A_34] : memref<64x256xf32, #tpu.memory_space<vmem>>, vector<64x256xf32>
    %dot_general3A_36 = arith.constant dense<0.000000e+00> : vector<50x256xf32>
    %dot_general3A_37 = tpu.matmul %get3A_32, %get3A_35, %dot_general3A_36 {dimension_numbers = #tpu.dot_dimension_numbers<[1], [0], [0], [1], [0, 0, 1, 1], [], []>, transpose_lhs_hint = false} : vector<50x64xf32>, vector<64x256xf32>, vector<50x256xf32> -> vector<50x256xf32>
    %get3A_38 = arith.constant 0 : index
    %get3A_39 = arith.constant 0 : index
    %get3A_40 = arith.constant 0 : index
    %get3A_41 = vector.load %arg3[%get3A_38, %get3A_39, %get3A_40] : memref<1x1x2048xi32, #tpu.memory_space<vmem>>, vector<1x1x2048xi32>
    %get3A_42 = vector.shape_cast %get3A_41 : vector<1x1x2048xi32> to vector<2048xi32>
    %broadcast_in_dim3A = vector.shape_cast %get3A_42 : vector<2048xi32> to vector<2048x1xi32>
    %iota3A = tpu.iota {dimensions = array<i32: 1>} : vector<2048x50xi32>
    %eq3A = vector.broadcast %broadcast_in_dim3A : vector<2048x1xi32> to vector<2048x50xi32>
    %eq3A_43 = arith.cmpi eq, %eq3A, %iota3A : vector<2048x50xi32>
    %convert_element_type3A_44 = arith.extui %eq3A_43 : vector<2048x50xi1> to vector<2048x50xi32>
    %convert_element_type3A_45 = arith.sitofp %convert_element_type3A_44 : vector<2048x50xi32> to vector<2048x50xf32>
    %slice3A_46 = vector.extract_strided_slice %dot_general3A_23 {offsets = [0, 256], sizes = [2048, 256], strides = [1, 1]} : vector<2048x512xf32> to vector<2048x256xf32>
    %dot_general3A_47 = arith.constant dense<0.000000e+00> : vector<2048x256xf32>
    %dot_general3A_48 = tpu.matmul %convert_element_type3A_45, %dot_general3A_37, %dot_general3A_47 {dimension_numbers = #tpu.dot_dimension_numbers<[1], [0], [0], [1], [0, 0, 1, 1], [], []>, transpose_lhs_hint = false} : vector<2048x50xf32>, vector<50x256xf32>, vector<2048x256xf32> -> vector<2048x256xf32>
    %add3A_49 = arith.addf %slice3A_46, %dot_general3A_48 : vector<2048x256xf32>
    %convert_element_type3A_50 = arith.truncf %add3A_49 : vector<2048x256xf32> to vector<2048x256xbf16>
    %swap3A_51 = arith.constant 0 : index
    %swap3A_52 = arith.constant 0 : index
    %swap3A_53 = arith.constant 0 : index
    %swap3A_54 = vector.load %arg10[%swap3A_51, %swap3A_52, %swap3A_53] : memref<1x2048x256xbf16, #tpu.memory_space<vmem>>, vector<1x2048x256xbf16>
    %swap3A_55 = vector.shape_cast %swap3A_54 : vector<1x2048x256xbf16> to vector<2048x256xbf16>
    %swap3A_56 = vector.shape_cast %convert_element_type3A_50 : vector<2048x256xbf16> to vector<1x2048x256xbf16>
    tpu.vector_store %arg10[%swap3A_51, %swap3A_52, %swap3A_53], %swap3A_56 {strides = array<i32>} : memref<1x2048x256xbf16, #tpu.memory_space<vmem>>, vector<1x2048x256xbf16>,
    %get3A_57 = arith.constant 0 : index
    %get3A_58 = arith.constant 0 : index
    %get3A_59 = arith.constant 0 : index
    %get3A_60 = vector.load %arg2[%get3A_57, %get3A_58, %get3A_59] : memref<1x1x2048xi32, #tpu.memory_space<vmem>>, vector<1x1x2048xi32>
    %get3A_61 = vector.shape_cast %get3A_60 : vector<1x1x2048xi32> to vector<1x2048xi32>
    %mul3A_62 = arith.constant 2048 : i32
    %mul3A_63 = arith.muli %arg0, %mul3A_62 : i32
    %add3A_64 = vector.broadcast %mul3A_63 : i32 to vector<1x2048xi32>
    %add3A_65 = arith.addi %get3A_61, %add3A_64 : vector<1x2048xi32>
    %swap3A_66 = arith.constant 0 : index
    %swap3A_67 = arith.constant 0 : index
    %swap3A_68 = arith.constant 0 : index
    %swap3A_69 = vector.load %arg11[%swap3A_66, %swap3A_67, %swap3A_68] : memref<1x1x2048xi32, #tpu.memory_space<vmem>>, vector<1x1x2048xi32>
    %swap3A_70 = vector.shape_cast %swap3A_69 : vector<1x1x2048xi32> to vector<1x2048xi32>
    %swap3A_71 = vector.shape_cast %add3A_65 : vector<1x2048xi32> to vector<1x1x2048xi32>
    tpu.vector_store %arg11[%swap3A_66, %swap3A_67, %swap3A_68], %swap3A_71 {strides = array<i32>} : memref<1x1x2048xi32, #tpu.memory_space<vmem>>, vector<1x1x2048xi32>,
    return
  }
  func.func @transform_0(%arg0: i32) -> (i32, i32, i32) {
    %c0_i32 = arith.constant 0 : i32
    %c0_i32_0 = arith.constant 0 : i32
    %c0_i32_1 = arith.constant 0 : i32
    return %arg0, %c0_i32, %c0_i32_0 : i32, i32, i32
  }
  func.func @transform_1(%arg0: i32) -> (i32, i32, i32) {
    %c0_i32 = arith.constant 0 : i32
    %c0_i32_0 = arith.constant 0 : i32
    %c0_i32_1 = arith.constant 0 : i32
    return %arg0, %c0_i32, %c0_i32_0 : i32, i32, i32
  }
  func.func @transform_2(%arg0: i32) -> (i32, i32, i32) {
    %c0_i32 = arith.constant 0 : i32
    %c0_i32_0 = arith.constant 0 : i32
    %c0_i32_1 = arith.constant 0 : i32
    return %arg0, %c0_i32, %c0_i32_0 : i32, i32, i32
  }
  func.func @transform_3(%arg0: i32) -> (i32, i32) {
    %c0_i32 = arith.constant 0 : i32
    %c0_i32_0 = arith.constant 0 : i32
    %c0_i32_1 = arith.constant 0 : i32
    return %c0_i32, %c0_i32_0 : i32, i32
  }
  func.func @transform_4(%arg0: i32) -> (i32, i32) {
    %c0_i32 = arith.constant 0 : i32
    %c0_i32_0 = arith.constant 0 : i32
    %c0_i32_1 = arith.constant 0 : i32
    return %c0_i32, %c0_i32_0 : i32, i32
  }
  func.func @transform_5(%arg0: i32) -> (i32, i32) {
    %c0_i32 = arith.constant 0 : i32
    %c0_i32_0 = arith.constant 0 : i32
    %c0_i32_1 = arith.constant 0 : i32
    return %c0_i32, %c0_i32_0 : i32, i32
  }
  func.func @transform_6(%arg0: i32) -> (i32, i32) {
    %c0_i32 = arith.constant 0 : i32
    %c0_i32_0 = arith.constant 0 : i32
    %c0_i32_1 = arith.constant 0 : i32
    return %c0_i32, %c0_i32_0 : i32, i32
  }
  func.func @transform_7(%arg0: i32) -> (i32, i32) {
    %c0_i32 = arith.constant 0 : i32
    %c0_i32_0 = arith.constant 0 : i32
    %c0_i32_1 = arith.constant 0 : i32
    return %c0_i32, %c0_i32_0 : i32, i32
  }
  func.func @transform_8(%arg0: i32) -> (i32, i32, i32) {
    %c0_i32 = arith.constant 0 : i32
    %c0_i32_0 = arith.constant 0 : i32
    %c0_i32_1 = arith.constant 0 : i32
    return %arg0, %c0_i32, %c0_i32_0 : i32, i32, i32
  }
  func.func @transform_9(%arg0: i32) -> (i32, i32, i32) {
    %c0_i32 = arith.constant 0 : i32
    %c0_i32_0 = arith.constant 0 : i32
    %c0_i32_1 = arith.constant 0 : i32
    return %arg0, %c0_i32, %c0_i32_0 : i32, i32, i32
  }
  func.func @transform_10(%arg0: i32) -> (i32, i32, i32) {
    %c0_i32 = arith.constant 0 : i32
    %c0_i32_0 = arith.constant 0 : i32
    %c0_i32_1 = arith.constant 0 : i32
    return %arg0, %c0_i32, %c0_i32_0 : i32, i32, i32
  }
}

module attributes {stable_mosaic.version = 14 : i64} {
  func.func @_stage3_body(%arg0: i32, %arg1: memref<1x2048x256xbf16, #tpu.memory_space<vmem>>, %arg2: memref<1x2048x256xbf16, #tpu.memory_space<vmem>>, %arg3: memref<256x128xf32, #tpu.memory_space<vmem>>, %arg4: memref<1x128xf32, #tpu.memory_space<vmem>>, %arg5: memref<1x1x128xf32, #tpu.memory_space<vmem>>) attributes {dimension_semantics = [#tpu.dimension_semantics<arbitrary>], iteration_bounds = array<i64: 16>, scalar_prefetch = 0 : i64, scratch_operands = 0 : i64, tpu.core_type = #tpu.core_type<tc>, window_params = [{transform_indices = @transform_0, window_bounds = array<i64: 1, 2048, 256>}, {transform_indices = @transform_1, window_bounds = array<i64: 1, 2048, 256>}, {pipeline_mode = #tpu.pipeline_mode<synchronous>, transform_indices = @transform_2, window_bounds = array<i64: 256, 128>}, {pipeline_mode = #tpu.pipeline_mode<synchronous>, transform_indices = @transform_3, window_bounds = array<i64: 1, 128>}, {transform_indices = @transform_4, window_bounds = array<i64: 1, 1, 128>}]} {
    %get3A = arith.constant 0 : index
    %get3A_0 = arith.constant 0 : index
    %get3A_1 = arith.constant 0 : index
    %get3A_2 = vector.load %arg1[%get3A, %get3A_0, %get3A_1] : memref<1x2048x256xbf16, #tpu.memory_space<vmem>>, vector<1x2048x256xbf16>
    %get3A_3 = vector.shape_cast %get3A_2 : vector<1x2048x256xbf16> to vector<2048x256xbf16>
    %convert_element_type3A = arith.extf %get3A_3 : vector<2048x256xbf16> to vector<2048x256xf32>
    %get3A_4 = arith.constant 0 : index
    %get3A_5 = arith.constant 0 : index
    %get3A_6 = arith.constant 0 : index
    %get3A_7 = vector.load %arg2[%get3A_4, %get3A_5, %get3A_6] : memref<1x2048x256xbf16, #tpu.memory_space<vmem>>, vector<1x2048x256xbf16>
    %get3A_8 = vector.shape_cast %get3A_7 : vector<1x2048x256xbf16> to vector<2048x256xbf16>
    %convert_element_type3A_9 = arith.extf %get3A_8 : vector<2048x256xbf16> to vector<2048x256xf32>
    %add3A = arith.addf %convert_element_type3A, %convert_element_type3A_9 : vector<2048x256xf32>
    %mul3A = arith.mulf %add3A, %add3A : vector<2048x256xf32>
    %reduce_sum3A = arith.constant dense<0.000000e+00> : vector<2048xf32>
    %reduce_sum3A_10 = vector.multi_reduction <add>, %mul3A, %reduce_sum3A [1] : vector<2048x256xf32> to vector<2048xf32>
    %broadcast_in_dim3A = vector.shape_cast %reduce_sum3A_10 : vector<2048xf32> to vector<2048x1xf32>
    %sqrt3A = math.sqrt %broadcast_in_dim3A : vector<2048x1xf32>
    %max3A = arith.constant 9.99999996E-13 : f32
    %max3A_11 = vector.broadcast %max3A : f32 to vector<2048x1xf32>
    %max3A_12 = arith.maximumf %sqrt3A, %max3A_11 : vector<2048x1xf32>
    %div3A = arith.constant 1.000000e+00 : f32
    %div3A_13 = vector.broadcast %div3A : f32 to vector<2048x1xf32>
    %div3A_14 = arith.divf %div3A_13, %max3A_12 : vector<2048x1xf32>
    %mul3A_15 = vector.broadcast %div3A_14 : vector<2048x1xf32> to vector<2048x256xf32>
    %mul3A_16 = arith.mulf %add3A, %mul3A_15 : vector<2048x256xf32>
    %reduce_sum3A_17 = arith.constant dense<0.000000e+00> : vector<256xf32>
    %reduce_sum3A_18 = vector.multi_reduction <add>, %mul3A_16, %reduce_sum3A_17 [0] : vector<2048x256xf32> to vector<256xf32>
    %broadcast_in_dim3A_19 = vector.shape_cast %reduce_sum3A_18 : vector<256xf32> to vector<1x256xf32>
    %mul3A_20 = arith.constant 4.8828125E-4 : f32
    %mul3A_21 = vector.broadcast %mul3A_20 : f32 to vector<1x256xf32>
    %mul3A_22 = arith.mulf %broadcast_in_dim3A_19, %mul3A_21 : vector<1x256xf32>
    %get3A_23 = arith.constant 0 : index
    %get3A_24 = arith.constant 0 : index
    %get3A_25 = vector.load %arg3[%get3A_23, %get3A_24] : memref<256x128xf32, #tpu.memory_space<vmem>>, vector<256x128xf32>
    %dot_general3A = arith.constant dense<0.000000e+00> : vector<1x128xf32>
    %dot_general3A_26 = tpu.matmul %mul3A_22, %get3A_25, %dot_general3A {dimension_numbers = #tpu.dot_dimension_numbers<[1], [0], [0], [1], [0, 0, 1, 1], [], []>, transpose_lhs_hint = false} : vector<1x256xf32>, vector<256x128xf32>, vector<1x128xf32> -> vector<1x128xf32>
    %get3A_27 = arith.constant 0 : index
    %get3A_28 = arith.constant 0 : index
    %get3A_29 = vector.load %arg4[%get3A_27, %get3A_28] : memref<1x128xf32, #tpu.memory_space<vmem>>, vector<1x128xf32>
    %add3A_30 = arith.addf %dot_general3A_26, %get3A_29 : vector<1x128xf32>
    %ge3A = arith.constant 0.000000e+00 : f32
    %ge3A_31 = vector.broadcast %ge3A : f32 to vector<1x128xf32>
    %ge3A_32 = arith.cmpf oge, %add3A_30, %ge3A_31 : vector<1x128xf32>
    %mul3A_33 = arith.constant 0.00999999977 : f32
    %mul3A_34 = vector.broadcast %mul3A_33 : f32 to vector<1x128xf32>
    %mul3A_35 = arith.mulf %mul3A_34, %add3A_30 : vector<1x128xf32>
    %select_n3A = arith.select %ge3A_32, %add3A_30, %mul3A_35 : vector<1x128xi1>, vector<1x128xf32>
    %swap3A = arith.constant 0 : index
    %swap3A_36 = arith.constant 0 : index
    %swap3A_37 = arith.constant 0 : index
    %swap3A_38 = vector.load %arg5[%swap3A, %swap3A_36, %swap3A_37] : memref<1x1x128xf32, #tpu.memory_space<vmem>>, vector<1x1x128xf32>
    %swap3A_39 = vector.shape_cast %swap3A_38 : vector<1x1x128xf32> to vector<1x128xf32>
    %swap3A_40 = vector.shape_cast %select_n3A : vector<1x128xf32> to vector<1x1x128xf32>
    tpu.vector_store %arg5[%swap3A, %swap3A_36, %swap3A_37], %swap3A_40 {strides = array<i32>} : memref<1x1x128xf32, #tpu.memory_space<vmem>>, vector<1x1x128xf32>,
    return
  }
  func.func @transform_0(%arg0: i32) -> (i32, i32, i32) {
    %c0_i32 = arith.constant 0 : i32
    %c0_i32_0 = arith.constant 0 : i32
    %c0_i32_1 = arith.constant 0 : i32
    return %arg0, %c0_i32, %c0_i32_0 : i32, i32, i32
  }
  func.func @transform_1(%arg0: i32) -> (i32, i32, i32) {
    %c0_i32 = arith.constant 0 : i32
    %c0_i32_0 = arith.constant 0 : i32
    %c0_i32_1 = arith.constant 0 : i32
    return %arg0, %c0_i32, %c0_i32_0 : i32, i32, i32
  }
  func.func @transform_2(%arg0: i32) -> (i32, i32) {
    %c0_i32 = arith.constant 0 : i32
    %c0_i32_0 = arith.constant 0 : i32
    %c0_i32_1 = arith.constant 0 : i32
    return %c0_i32, %c0_i32_0 : i32, i32
  }
  func.func @transform_3(%arg0: i32) -> (i32, i32) {
    %c0_i32 = arith.constant 0 : i32
    %c0_i32_0 = arith.constant 0 : i32
    %c0_i32_1 = arith.constant 0 : i32
    return %c0_i32, %c0_i32_0 : i32, i32
  }
  func.func @transform_4(%arg0: i32) -> (i32, i32, i32) {
    %c0_i32 = arith.constant 0 : i32
    %c0_i32_0 = arith.constant 0 : i32
    %c0_i32_1 = arith.constant 0 : i32
    return %arg0, %c0_i32, %c0_i32_0 : i32, i32, i32
  }
}

</mosaic_0001>

<sc_bundles>
// kernel: kernel.7.cloned.1.call-start
scs
__scs_entry_jumppad:
0x0: {  	(pc) =	sbr.rel $0x88, $3  }
0x1: {  	(tag) =	ssettag $0x0;
	lr =	simm.s32 $0x1  }
0x2: {  	[smem:$0x3F8F] =	sst lr;
	_ =	strace $0xD0000000  }
0x3: {  	_ = 	snop  }
0x4: {  	_ = 	snop  }
0x5: {  	_ = 	snop  }
0x6: {  	_ = 	snop  }
0x7: {  	_ = 	snop  }
__scs_overlays_trampoline_lowered:
0x8: {  	[smem:$0x3F9E] =	sst s0  }
0x9: {  	[smem:$0x3F9F] =	sst s1  }
0xa: {  	[smem:$0x3FA0] =	sst s2  }
0xb: {  	[smem:$0x3FA1] =	sst s3  }
0xc: {  	[smem:$0x3FA2] =	sst s4  }
0xd: {  	[smem:$0x3FA3] =	sst s5  }
0xe: {  	[smem:$0x3FA4] =	sst s6  }
0xf: {  	[smem:$0x3FA5] =	sst s7  }
0x10: {  	[smem:$0x3FA6] =	sst s8  }
0x11: {  	[smem:$0x3FA7] =	sst s9;
	s0 =	simm.s32 @!p0 $0x0  }
0x12: {  	s1 =	sld [smem:$0x3F8D];
	s0 =	simm.s32 @p0 $0x1  }
0x13: {  	[smem:$0x3FA8] =	sst s0;
	s0 =	simm.s32 @!p1 $0x0  }
0x14: {  	s2 =	sld [smem:$0x3F8C];
	s0 =	simm.s32 @p1 $0x1  }
0x15: {  	[smem:$0x3FA9] =	sst s0;
	s0 =	simm.s32 @!p2 $0x0  }
0x16: {  	s3 =	sld [smem:$0x3FDB];
	s0 =	simm.s32 @p2 $0x1  }
0x17: {  	s4 =	simm.s32 $0x1BF5;
	[smem:$0x3FAB] =	sst s0  }
0x18: {  	s0 =	sld [smem:$0x3F8E];
	_ =	swait.ge [sflag:s4], $0x0  }
0x19: {  	s7 =	sld [smem:$0x3F8F]  }
0x1a: {  	s8 =	sadd.s32 $0xFFFFE003, lr  }
0x1b: {  	s9 =	sadd.s32 $0xFFFFFEF7, lr;
	s5 =	simm.s32 $0xFFFFFFFF;
	p2 =	slt.u32 s8, $0xFFFFF086  }
0x1c: {  	p1 =	slt.u32 s9, $0xF7A;
	s5 =	simm.s32 @!p2 $0x0  }
0x1d: {  	s5 =	simm.s32 @p1 $0x1;
	p0 =	seq.s32 s7, s2  }
0x1e: {  	s7 =	smul.u32 @!p0 $0xF7A, s2;
	p2 =	seq.s32 @!p0 s5, $0x0  }
0x1f: {  	s9 =	smul.u32 $0xF7A, s1;
	s8 =	simm.s32 @!p0 $0x1BF5;
	p2 =	por !p2, p0  }
0x20: {  	[sflag:s8] =	ssyncset.s32 @!p0 $0xFFFFF086;
	s6 =	sadd.s32 @!p0 s3, s7;
	s7 =	simm.s32 @!p0 $0x108  }
0x21: {  	s3 =	sadd.s32 s3, s9;
	s6 =	sadd.s32 @!p0 $0x88, s6;
	s7 =	simm.s32 @p2 $0x1082  }
0x22: {  	[simem:s7], [sflag:s8] =	dma.local @!p0 [hbm:s6], $0xF7A  }
0x23: {  	s9 =	sor.u32 $0xD0000000, s2;
	s6 =	simm.s32 $0x108;
	_ =	swait.ge @!p0 [sflag:s8], $0x0  }
0x24: {  	s3 =	sadd.s32 $0x88, s3;
	s6 =	simm.s32 @!p1 $0x1082;
	[sflag:s4] =	ssyncset.s32 $0xFFFFF086  }
0x25: {  	[simem:s6], [sflag:s4] =	dma.local [hbm:s3], $0xF7A  }
0x26: {  	[smem:$0x3F8F] =	sst s1;
	(tag) =	ssettag s2;
	_ =	strace s9  }
0x27: {  	s1 =	sld [smem:$0x3F9F]  }
0x28: {  	s2 =	sld [smem:$0x3FA0]  }
0x29: {  	s4 =	sld [smem:$0x3FA2]  }
0x2a: {  	p0 =	seq.s32 s5, $0x0;
	s5 =	sld [smem:$0x3FA3]  }
0x2b: {  	s6 =	sld [smem:$0x3FA4]  }
0x2c: {  	s7 =	sld [smem:$0x3FA5]  }
0x2d: {  	s3 =	simm.s32 $0x108;
	s8 =	sld [smem:$0x3FA6]  }
0x2e: {  	s3 =	simm.s32 @!p0 $0x1082;
	s9 =	sld [smem:$0x3FA7]  }
0x2f: {  	lr =	sadd.s32 s0, s3;
	s0 =	sld [smem:$0x3F9E]  }
0x30: {  	s3 =	sld [smem:$0x3FA1]  }
0x31: {  	[smem:$0x3FAA] =	sst s10  }
0x32: {  	s10 =	sld [smem:$0x3FA8];
	_ =	sdelay $0x3  }
0x33: {  	p0 =	seq.s32 s10, $0x1;
	s10 =	sld [smem:$0x3FAA];
	_ =	sdelay $0x3  }
0x34: {  	[smem:$0x3FAA] =	sst s10  }
0x35: {  	s10 =	sld [smem:$0x3FA9];
	_ =	sdelay $0x3  }
0x36: {  	p1 =	seq.s32 s10, $0x1;
	s10 =	sld [smem:$0x3FAA];
	_ =	sdelay $0x3  }
0x37: {  	[smem:$0x3FAA] =	sst s10  }
0x38: {  	s10 =	sld [smem:$0x3FAB]  }
0x39: {  	_ = 	snop;
	(pc) =	sbr.ind lr, $3  }
0x3a: {  	_ = 	snop  }
0x3b: {  	_ = 	snop  }
0x3c: {  	p2 =	seq.s32 s10, $0x1;
	s10 =	sld [smem:$0x3FAA]  }
0x3d: {  	_ =	shalt  }
0x3e: {  	_ =	shalt  }
0x3f: {  	_ =	shalt  }
0x40: {  	_ =	shalt  }
0x41: {  	_ =	shalt  }
0x42: {  	_ =	shalt  }
0x43: {  	_ =	shalt  }
0x44: {  	_ =	shalt  }
0x45: {  	_ =	shalt  }
0x46: {  	_ =	shalt  }
0x47: {  	_ =	shalt  }
0x48: {  	_ =	shalt  }
0x49: {  	_ =	shalt  }
0x4a: {  	_ =	shalt  }
0x4b: {  	_ =	shalt  }
0x4c: {  	_ =	shalt  }
0x4d: {  	_ =	shalt  }
0x4e: {  	_ =	shalt  }
0x4f: {  	_ =	shalt  }
0x50: {  	_ =	shalt  }
0x51: {  	_ =	shalt  }
0x52: {  	_ =	shalt  }
0x53: {  	_ =	shalt  }
0x54: {  	_ =	shalt  }
0x55: {  	_ =	shalt  }
0x56: {  	_ =	shalt  }
0x57: {  	_ =	shalt  }
0x58: {  	_ =	shalt  }
0x59: {  	_ =	shalt  }
0x5a: {  	_ =	shalt  }
0x5b: {  	_ =	shalt  }
0x5c: {  	_ =	shalt  }
0x5d: {  	_ =	shalt  }
0x5e: {  	_ =	shalt  }
0x5f: {  	_ =	shalt  }
0x60: {  	_ =	shalt  }
0x61: {  	_ =	shalt  }
0x62: {  	_ =	shalt  }
0x63: {  	_ =	shalt  }
0x64: {  	_ =	shalt  }
0x65: {  	_ =	shalt  }
0x66: {  	_ =	shalt  }
0x67: {  	_ =	shalt  }
0x68: {  	_ =	shalt  }
0x69: {  	_ =	shalt  }
0x6a: {  	_ =	shalt  }
0x6b: {  	_ =	shalt  }
0x6c: {  	_ =	shalt  }
0x6d: {  	_ =	shalt  }
0x6e: {  	_ =	shalt  }
0x6f: {  	_ =	shalt  }
0x70: {  	_ =	shalt  }
0x71: {  	_ =	shalt  }
0x72: {  	_ =	shalt  }
0x73: {  	_ =	shalt  }
0x74: {  	_ =	shalt  }
0x75: {  	_ =	shalt  }
0x76: {  	_ =	shalt  }
0x77: {  	_ =	shalt  }
0x78: {  	_ =	shalt  }
0x79: {  	_ =	shalt  }
0x7a: {  	_ =	shalt  }
0x7b: {  	_ =	shalt  }
0x7c: {  	_ =	shalt  }
0x7d: {  	_ =	shalt  }
0x7e: {  	_ =	shalt  }
0x7f: {  	_ =	shalt  }
0x80: {  	_ =	shalt  }
0x81: {  	_ =	shalt  }
0x82: {  	_ =	shalt  }
0x83: {  	_ =	shalt  }
0x84: {  	_ =	shalt  }
0x85: {  	_ =	shalt  }
0x86: {  	_ =	shalt  }
0x87: {  	_ =	shalt  }
.Lfunc_end0:
.L_simem_size_0:
called_computation.4_lowered:
.L_overlay_start_0:
0x88: {  	s2 =	sld [smem:$0x3FD9]  }
0x89: {  	s3 =	sld [smem:$0x3FFE];
	_ =	sdelay $0x1  }
0x8a: {  	s1 =	srdreg.scid  }
0x8b: {  	s0 =	sand.u32 $0x1, s1  }
0x8c: {  	s16 =	sshll.u32 s0, $0xA;
	s2 =	sadd.s32 s3, s2  }
0x8d: {  	s2 =	sadd.s32 s2, s16  }
0x8e: {  	[smem:$0x3FB6] =	sst s2  }
0x8f: {  	_ = 	snop  }
0x90: {  	(tm) =	ssettm $0x1  }
0x91: {  	s17 =	sld [smem:$0x3FFB];
	_ =	sdelay $0x3  }
0x92: {  	_ =	strace s17  }
0x93: {  	s2 =	sld [smem:$0x3FFC];
	_ =	sdelay $0x3  }
0x94: {  	_ =	strace s2  }
0x95: {  	s2 =	sld [smem:$0x3FFD];
	_ =	sdelay $0x3  }
0x96: {  	_ =	strace s2  }
0x97: {  	_ =	strace $0x8FFFFFFF  }
0x98: {  	s18 =	sld [smem:$0x3FDB];
	_ =	sdelay $0x1  }
0x99: {  	s19 =	simm.s32 $_scs_section_size  }
0x9a: {  	s4 =	simm.s32 $_size__tile_overlayer_lowered;
	s5 =	simm.s32 $_tile_overlayer_lowered  }
0x9b: {  	s22 =	simm.s32 $0x1BFF;
	s21 =	sshll.u32 s5, $0x1;
	s2 =	sadd.s32 s19, s18  }
0x9c: {  	s6 =	simm.s32 $0x0;
	s20 =	sshll.u32 s4, $0x1;
	s4 =	sadd.s32 s21, s2  }
0x9d: {  	[timem:s6], [sflag:s22] =	dma.local [hbm:s4], s20  }
0x9e: {  	_ =	swait.ge [sflag:s22], s20  }
0x9f: {  	s3 =	ssub.s32 $0x0, s20;
	[sflag:s22] =	ssyncset.done $0x0  }
0xa0: {  	[sflag:s22] =	ssyncadd.s32 s3;
	_ =	sdelay $0x1  }
0xa1: {  	s23 =	simm.s32 $0x1B8B  }
0xa2: {  	_ =	swait.ge [sflag:s23], $0x1  }
0xa3: {  	[sflag:s23] =	ssyncset.done $0x0  }
0xa4: {  	s25 =	simm.s32 $0x1B8E;
	s24 =	sld [smem:$0x3FFE];
	[sflag:s23] =	ssyncadd.s32 $0xFFFFFFFF  }
0xa5: {  	s26 =	simm.s32 $execute0_lowered;
	[smem:$0x3FD2] =	sst s25  }
0xa6: {  	s4 =	sshll.u32 s26, $0x1;
	_ =	strace $0x8000004C;
	[dreg:$0x1] =	wrdreg $0xFFFFFFFF  }
0xa7: {  	s28 =	simm.s32 $_size_execute0_lowered;
	s2 =	sadd.s32 s2, s4;
	[dreg:$0x0] =	wrdreg $0x0  }
0xa8: {  	s4 =	sshll.u32 s28, $0x1;
	[dreg:$0x2] =	wrdreg s2  }
0xa9: {  	[dreg:$0x3] =	wrdreg s4  }
0xaa: {  	[dreg:$0x4] =	wrdreg $0xC0  }
0xab: {  	_ =	task [dreg:s6], $0x5FFFF  }
0xac: {  	[dreg:$0x1] =	wrdreg $0xFFFFFFFF  }
0xad: {  	[dreg:$0x0] =	wrdreg $0x60  }
0xae: {  	[dreg:$0x2] =	wrdreg s24  }
0xaf: {  	[dreg:$0x3] =	wrdreg $0x9  }
0xb0: {  	_ =	task.clear_ibuf [dreg:s6], $0x4FFFF;
	_ =	strace $0x9000004C  }
0xb1: {  	s29 =	simm.s32 $0x9;
	_ =	strace $0x8000004E  }
0xb2: {  	_ =	swait.ge [sflag:s29], $0x1  }
0xb3: {  	[sflag:s29] =	ssyncadd.s32 $0xFFFFFFFF  }
0xb4: {  	_ =	strace $0x9000004E  }
0xb5: {  	_ =	sfence  }
0xb6: {  	s30 =	sld [smem:$0x0];
	_ =	sdelay $0x2  }
0xb7: {  	s31 =	sshll.u32 s1, $0xD;
	s1 =	sshrl.u32 s1, $0x2  }
0xb8: {  	s3 =	sand.u32 $0x4000, s31;
	s1 =	sadd.s32 s1, s30  }
0xb9: {  	s0 =	sor.u32 s3, s0;
	s1 =	sshll.u32 s1, $0x11  }
0xba: {  	s0 =	sor.u32 s1, s0  }
0xbb: {  	s0 =	sadd.s32 $0x8F2B, s0  }
0xbc: {  	[sflag:s0] =	ssyncadd.remote.s32 $0x1  }
0xbd: {  	_ =	sfence.sel $0xFFFF  }
0xbe: {  	[dreg:$0x0] =	wrdreg $0xFFFFFFFF;
	(pc) =	sbr.abs _section_cstart, $3  }
0xbf: {  	[dreg:$0x1] =	wrdreg $0xFFFFFFFF  }
0xc0: {  	_ =	task.clear_ibuf [dreg:s6], $0x2FFFF;
	_ =	strace $0x9FFFFFFF  }
0xc1: {  	(tm) =	ssettm $0x7FFFFFFF  }
tec
execute0_lowered:
.L_overlay_start_1:
0x0: {  	(tag) =	ssettag $0x1  }
0x1: {  	s5 =	rddreg [dreg:$0x0]  }
0x2: {  	s0 =	rddreg [dreg:$0x1];
	s2 =	simm.s32 $0x0;
	s3 =	srdreg.scid  }
0x3: {  	s1 =	stileid.u32;
	s12 =	simm.s32 $0x1;
	s13 =	simm.s32 $0x0  }
0x4: {  	[smem:$0x7FF] =	sst s2;
	s6 =	sand.u32 $0x1, s3;
	s3 =	sadd.s32 $0x105400, s5  }
0x5: {  	s7 =	sshll.u32 s1, $0xB;
	s4 =	sadd.s32 $0x185400, s5;
	s30 =	sshll.u32 s1, $0xF  }
0x6: {  	_ =	strace $0x8000004D;
	s8 =	sshll.u32 s6, $0xA;
	s9 =	ssub.s32 $0x2, s6  }
0x7: {  	s6 =	sshll.u32 s6, $0xE;
	s7 =	sor.u32 s8, s7;
	s10 =	sshrl.u32 s9, $0x1  }
0x8: {  	s8 =	sadd.s32 s30, s5;
	s7 =	sshrl.u32 s7, $0x3;
	s31 =	ssub.s32 s9, s10  }
0x9: {  	s8 =	sadd.s32 s6, s8;
	s10 =	simm.s32 $0x2;
	s11 =	sadd.s32 s7, s5  }
0xa: {  	s5 =	smax.u32 s31, $0x1;
	s6 =	sadd.s32 $0x205400, s8;
	s8 =	sadd.s32 $0x85400, s8  }
0xb: {  	s7 =	sadd.s32 $0x84400, s11;
	s9 =	sadd.s32 $0x305400, s11;
	s11 =	simm.s32 $0x80  }
.LBB2_1:
0xc: {  	s14 =	sadd.s32 $0x0, s7  }
0xd: {  	[tilespmem:s2], [sflag:$0x2] =	stream.linear.gather [hbm4b:s14+s2], $0x80, $0x38;
	[tilespmem:$0x4080] =	vst v63  }
0xe: {  	_ =	swait.ge [sflag:s10], $0x80  }
0xf: {  	[sflag:s10] =	ssyncset.done $0x0  }
0x10: {  	[sflag:s10] =	ssyncadd.s32 $0xFFFFFF80  }
0x11: {  	[tilespmem:s11], [sflag:$0x1] =	stream.indirect.gather [hbm4b:s3+s11], $0x80, s2, s11, $0xb8;
	[tilespmem:$0x4080] =	vst v63  }
0x12: {  	_ =	swait.ge [sflag:s12], $0x4000  }
0x13: {  	[sflag:s12] =	ssyncset.done $0x0  }
0x14: {  	[sflag:s12] =	ssyncadd.s32 $0xFFFFC000  }
0x15: {  	[hbm4b:s6+s2] =	stream.linear.scatter [tilespmem:s11], [sflag:$0x2], $0x4000, $0x38;
	[tilespmem:$0x4080] =	vst v63  }
0x16: {  	s17 =	sadd.s32 $0x10, s7;
	_ =	swait.ge [sflag:s10], $0x4000  }
0x17: {  	s15 =	simm.s32 $0x20;
	s14 =	sadd.s32 $0x800, s6;
	[sflag:s10] =	ssyncset.done $0x0  }
.LBB2_2:
0x18: {  	s18 =	sadd.s32 s15, s7;
	s16 =	simm.s32 $0x0;
	[sflag:s10] =	ssyncadd.s32 $0xFFFFC000  }
0x19: {  	[tilespmem:s16], [sflag:$0x2] =	stream.linear.gather [hbm4b:s17+s16], $0x80, $0x38;
	[tilespmem:$0x4080] =	vst v63  }
0x1a: {  	p0 =	sne.s32 s15, $0x70;
	s15 =	sadd.s32 $0x10, s15;
	_ =	swait.ge [sflag:s10], $0x80  }
0x1b: {  	s17 =	smov.u32 s18;
	[sflag:s10] =	ssyncset.done $0x0  }
0x1c: {  	[sflag:s10] =	ssyncadd.s32 $0xFFFFFF80  }
0x1d: {  	[tilespmem:s11], [sflag:$0x1] =	stream.indirect.gather [hbm4b:s3+s11], $0x80, s16, s11, $0xb8;
	[tilespmem:$0x4080] =	vst v63  }
0x1e: {  	_ =	swait.ge [sflag:s12], $0x4000  }
.Ltmp0:
0x1f: {  	[sflag:s12] =	ssyncset.done $0x0;
	(pc) =	sbr.rel @p0 .LBB2_2-.Ltmp0, $4  }
0x20: {  	[sflag:s12] =	ssyncadd.s32 $0xFFFFC000  }
0x21: {  	[hbm4b:s14+s16] =	stream.linear.scatter [tilespmem:s11], [sflag:$0x2], $0x4000, $0x38;
	[tilespmem:$0x4080] =	vst v63  }
0x22: {  	_ =	swait.ge [sflag:s10], $0x4000  }
0x23: {  	s14 =	sadd.s32 $0x800, s14;
	[sflag:s10] =	ssyncset.done $0x0  }
0x24: {  	[sflag:s10] =	ssyncadd.s32 $0xFFFFC000  }
0x25: {  	[tilespmem:s16], [sflag:$0x2] =	stream.linear.gather [hbm4b:s17+s16], $0x80, $0x38;
	[tilespmem:$0x4080] =	vst v63  }
0x26: {  	_ =	swait.ge [sflag:s10], $0x80  }
0x27: {  	[sflag:s10] =	ssyncset.done $0x0  }
0x28: {  	[sflag:s10] =	ssyncadd.s32 $0xFFFFFF80  }
0x29: {  	[tilespmem:s11], [sflag:$0x1] =	stream.indirect.gather [hbm4b:s3+s11], $0x80, s16, s11, $0xb8;
	[tilespmem:$0x4080] =	vst v63  }
0x2a: {  	_ =	swait.ge [sflag:s12], $0x4000  }
0x2b: {  	p1 =	por $0x1, $0x1;
	[sflag:s12] =	ssyncset.done $0x0  }
.Ltmp1:
0x2c: {  	[sflag:s12] =	ssyncadd.s32 $0xFFFFC000;
	(pc) =	sbr.rel @!p1 .LBB2_8-.Ltmp1, $4  }
0x2d: {  	[hbm4b:s14+s16] =	stream.linear.scatter [tilespmem:s11], [sflag:$0x2], $0x4000, $0x38;
	[tilespmem:$0x4080] =	vst v63  }
0x2e: {  	_ =	swait.ge [sflag:s10], $0x4000  }
0x2f: {  	p0 =	por $0x0, $0x0;
	[sflag:s10] =	ssyncset.done $0x0  }
0x30: {  	s15 =	smov.u32 s8;
	s14 =	simm.s32 $0x10;
	[sflag:s10] =	ssyncadd.s32 $0xFFFFC000  }
0x31: {  	s15 =	sadd.s32 $0x0, s9  }
0x32: {  	[tilespmem:s2], [sflag:$0x2] =	stream.linear.gather [hbm4b:s15+s2], $0x80, $0x38;
	[tilespmem:$0x4080] =	vst v63  }
0x33: {  	_ =	swait.ge [sflag:s10], $0x80  }
0x34: {  	[sflag:s10] =	ssyncset.done $0x0  }
0x35: {  	[sflag:s10] =	ssyncadd.s32 $0xFFFFFF80  }
0x36: {  	[tilespmem:s11], [sflag:$0x1] =	stream.indirect.gather [hbm4b:s4+s11], $0x80, s2, s11, $0xb8;
	[tilespmem:$0x4080] =	vst v63  }
0x37: {  	p1 =	por $0x1, $0x1;
	_ =	swait.ge [sflag:s12], $0x4000  }
.Ltmp2:
0x38: {  	[sflag:s12] =	ssyncset.done $0x0;
	(pc) =	sbr.rel @!p1 .LBB2_5-.Ltmp2, $4  }
0x39: {  	[sflag:s12] =	ssyncadd.s32 $0xFFFFC000  }
0x3a: {  	[hbm4b:s8+s2] =	stream.linear.scatter [tilespmem:s11], [sflag:$0x2], $0x4000, $0x38;
	[tilespmem:$0x4080] =	vst v63  }
0x3b: {  	s16 =	simm.s32 $0x20;
	_ =	swait.ge [sflag:s10], $0x4000  }
0x3c: {  	p0 =	por $0x1, $0x1;
	s15 =	sadd.s32 $0x800, s8;
	[sflag:s10] =	ssyncset.done $0x0  }
.LBB2_6:
0x3d: {  	s17 =	sadd.s32 s14, s9  }
0x3e: {  	[sflag:s10] =	ssyncadd.s32 $0xFFFFC000;
	s14 =	smov.u32 s16;
	s18 =	sadd.s32 $0x10, s16  }
0x3f: {  	[tilespmem:s2], [sflag:$0x2] =	stream.linear.gather [hbm4b:s17+s2], $0x80, $0x38;
	[tilespmem:$0x4080] =	vst v63  }
0x40: {  	p1 =	sne.s32 s16, $0x70;
	_ =	swait.ge [sflag:s10], $0x80  }
0x41: {  	[sflag:s10] =	ssyncset.done $0x0  }
0x42: {  	[sflag:s10] =	ssyncadd.s32 $0xFFFFFF80  }
0x43: {  	[tilespmem:s11], [sflag:$0x1] =	stream.indirect.gather [hbm4b:s4+s11], $0x80, s2, s11, $0xb8;
	[tilespmem:$0x4080] =	vst v63  }
0x44: {  	_ =	swait.ge [sflag:s12], $0x4000  }
.Ltmp3:
0x45: {  	[sflag:s12] =	ssyncset.done $0x0;
	(pc) =	sbr.rel @p1 .LBB2_6-.Ltmp3, $4  }
0x46: {  	[sflag:s12] =	ssyncadd.s32 $0xFFFFC000  }
0x47: {  	[hbm4b:s15+s2] =	stream.linear.scatter [tilespmem:s11], [sflag:$0x2], $0x4000, $0x38;
	[tilespmem:$0x4080] =	vst v63  }
0x48: {  	_ =	swait.ge [sflag:s10], $0x4000  }
0x49: {  	s16 =	smov.u32 s18;
	s15 =	sadd.s32 $0x800, s15;
	[sflag:s10] =	ssyncset.done $0x0  }
0x4a: {  	s16 =	smov.u32 s14  }
.LBB2_8:
0x4b: {  	s14 =	sadd.s32 s16, s9;
	[sflag:s10] =	ssyncadd.s32 @p0 $0xFFFFC000  }
0x4c: {  	[tilespmem:s2], [sflag:$0x2] =	stream.linear.gather [hbm4b:s14+s2], $0x80, $0x38;
	[tilespmem:$0x4080] =	vst v63  }
0x4d: {  	_ =	swait.ge [sflag:s10], $0x80  }
0x4e: {  	[sflag:s10] =	ssyncset.done $0x0  }
0x4f: {  	[sflag:s10] =	ssyncadd.s32 $0xFFFFFF80  }
0x50: {  	[tilespmem:s11], [sflag:$0x1] =	stream.indirect.gather [hbm4b:s4+s11], $0x80, s2, s11, $0xb8;
	[tilespmem:$0x4080] =	vst v63  }
0x51: {  	_ =	swait.ge [sflag:s12], $0x4000  }
0x52: {  	s13 =	sadd.s32 $0x1, s13;
	[sflag:s12] =	ssyncset.done $0x0  }
0x53: {  	p0 =	sne.s32 s13, s5;
	[sflag:s12] =	ssyncadd.s32 $0xFFFFC000  }
0x54: {  	[hbm4b:s15+s2] =	stream.linear.scatter [tilespmem:s11], [sflag:$0x2], $0x4000, $0x38;
	[tilespmem:$0x4080] =	vst v63  }
.Ltmp4:
0x55: {  	_ = 	snop;
	(pc) =	sbr.rel @p0 .LBB2_1-.Ltmp4, $4  }
.Ltmp5:
0x56: {  	_ = 	snop;
	(pc) =	sbr.rel @!p0 .LBB2_9-.Ltmp5, $4  }
0x57: {  	_ =	swait.ge [sflag:s10], $0x4000  }
0x58: {  	[sflag:s10] =	ssyncset.done $0x0  }
0x59: {  	[sflag:s10] =	ssyncadd.s32 $0xFFFFC000  }
0x5a: {  	_ = 	snop  }
.LBB2_5:
.Ltmp6:
0x5b: {  	(pc) =	sbr.rel .LBB2_8-.Ltmp6, $2  }
0x5c: {  	_ =	sdelay $0x2  }
0x5d: {  	s16 =	simm.s32 $0x10  }
.LBB2_9:
0x5e: {  	_ =	sfence.sel $0x180000  }
0x5f: {  	[bflag:$0x0] =	sbarrier.arrive $0xFFFF  }
0x60: {  	p0 =	sne.s32 s1, $0x0;
	_ =	strace $0x9000004D  }
0x61: {  	s0 =	sadd.s32 @!p0 $0x100000, s0;
	[bflag:$0x2] =	sbarrier.arrive $0xFFFF  }
0x62: {  	[sflag:s0] =	ssyncadd.tile.s32 @!p0 $0x1;
	_ =	shalt  }
.Lfunc_end2:
_tile_overlayer_lowered:
.L_overlay_start_2:
0x63: {  	(tag) =	ssettag $0x2  }
0x64: {  	s0 =	rddreg [dreg:$0x0];
	s2 =	stileid.u32  }
0x65: {  	s1 =	rddreg [dreg:$0x1];
	p0 =	sne.s32 s2, $0x0  }
0x66: {  	s3 =	rddreg [dreg:$0x2];
	[bflag:$0x3] =	sbarrier.arrive $0xFFFF;
	s2 =	simm.s32 @!p0 $0x1C02  }
0x67: {  	[timem:s3], [sflag:s2] =	dma.local @!p0 [hbm:s0], s1  }
0x68: {  	s0 =	simm.s32 @!p0 $0x2  }
0x69: {  	_ =	swait.ge @!p0 [sflag:s0], s1  }
0x6a: {  	s1 =	ssub.s32 @!p0 $0x0, s1;
	[sflag:s0] =	ssyncset.done @!p0 $0x0  }
0x6b: {  	[sflag:s0] =	ssyncadd.s32 @!p0 s1  }
0x6c: {  	[bflag:$0x3] =	sbarrier.arrive $0xFFFF  }
0x6d: {  	_ =	shalt  }

// kernel: sparse-core-data-format-call.1.cloned.1.call-start
scs
called_computation.1_lowered:
.L_overlay_start_0:
0x0: {  	s1 =	sld [smem:$0x3FD9]  }
0x1: {  	s2 =	sld [smem:$0x3FFE];
	_ =	sdelay $0x1  }
0x2: {  	s3 =	srdreg.scid  }
0x3: {  	s0 =	sand.u32 $0x1, s3  }
0x4: {  	s17 =	sshll.u32 s0, $0xA;
	s1 =	sadd.s32 s2, s1  }
0x5: {  	s1 =	sadd.s32 s1, s17  }
0x6: {  	[smem:$0x3FB6] =	sst s1  }
0x7: {  	_ = 	snop  }
0x8: {  	(tm) =	ssettm $0x1  }
0x9: {  	s18 =	sld [smem:$0x3FFB];
	_ =	sdelay $0x3  }
0xa: {  	_ =	strace s18  }
0xb: {  	s1 =	sld [smem:$0x3FFC];
	_ =	sdelay $0x3  }
0xc: {  	_ =	strace s1  }
0xd: {  	s1 =	sld [smem:$0x3FFD];
	_ =	sdelay $0x3  }
0xe: {  	_ =	strace s1  }
0xf: {  	_ =	strace $0x8FFFFFFF  }
0x10: {  	s19 =	sld [smem:$0x3FDB];
	_ =	sdelay $0x1  }
0x11: {  	s20 =	simm.s32 $_scs_section_size  }
0x12: {  	s4 =	simm.s32 $_size__tile_overlayer_lowered;
	s5 =	simm.s32 $_tile_overlayer_lowered  }
0x13: {  	s23 =	simm.s32 $0x1BFF;
	s22 =	sshll.u32 s5, $0x1;
	s1 =	sadd.s32 s20, s19  }
0x14: {  	s6 =	simm.s32 $0x0;
	s21 =	sshll.u32 s4, $0x1;
	s4 =	sadd.s32 s22, s1  }
0x15: {  	[timem:s6], [sflag:s23] =	dma.local [hbm:s4], s21  }
0x16: {  	_ =	swait.ge [sflag:s23], s21  }
0x17: {  	s2 =	ssub.s32 $0x0, s21;
	[sflag:s23] =	ssyncset.done $0x0  }
0x18: {  	[sflag:s23] =	ssyncadd.s32 s2;
	_ =	sdelay $0x1  }
0x19: {  	s24 =	simm.s32 $0x1B8B  }
0x1a: {  	_ =	swait.ge [sflag:s24], $0x1  }
0x1b: {  	[sflag:s24] =	ssyncset.done $0x0  }
0x1c: {  	s26 =	simm.s32 $0x1B8E;
	s25 =	sld [smem:$0x3FFE];
	[sflag:s24] =	ssyncadd.s32 $0xFFFFFFFF  }
0x1d: {  	s27 =	simm.s32 $execute0_lowered;
	[smem:$0x3FD2] =	sst s26  }
0x1e: {  	s4 =	sshll.u32 s27, $0x1;
	_ =	strace $0x8000004F;
	[dreg:$0x1] =	wrdreg $0xFFFFFFFF  }
0x1f: {  	s28 =	simm.s32 $_size_execute0_lowered;
	s1 =	sadd.s32 s1, s4;
	[dreg:$0x0] =	wrdreg $0x0  }
0x20: {  	s4 =	sshll.u32 s28, $0x1;
	[dreg:$0x2] =	wrdreg s1  }
0x21: {  	[dreg:$0x3] =	wrdreg s4  }
0x22: {  	[dreg:$0x4] =	wrdreg $0xC0  }
0x23: {  	_ =	task [dreg:s6], $0x5FFFF  }
0x24: {  	[dreg:$0x1] =	wrdreg $0xFFFFFFFF  }
0x25: {  	[dreg:$0x0] =	wrdreg $0x60  }
0x26: {  	[dreg:$0x2] =	wrdreg s25  }
0x27: {  	[dreg:$0x3] =	wrdreg $0xA  }
0x28: {  	_ =	task.clear_ibuf [dreg:s6], $0x4FFFF;
	_ =	strace $0x9000004F  }
0x29: {  	s29 =	simm.s32 $0xA;
	_ =	strace $0x80000051  }
0x2a: {  	_ =	swait.ge [sflag:s29], $0x1  }
0x2b: {  	[sflag:s29] =	ssyncadd.s32 $0xFFFFFFFF  }
0x2c: {  	_ =	strace $0x90000051  }
0x2d: {  	_ =	sfence  }
0x2e: {  	s30 =	sld [smem:$0x0];
	_ =	sdelay $0x2  }
0x2f: {  	s31 =	sshll.u32 s3, $0xD;
	s3 =	sshrl.u32 s3, $0x2  }
0x30: {  	s2 =	sand.u32 $0x4000, s31;
	s1 =	sadd.s32 s3, s30  }
0x31: {  	s0 =	sor.u32 s2, s0;
	s1 =	sshll.u32 s1, $0x11  }
0x32: {  	s0 =	sor.u32 s1, s0  }
0x33: {  	s0 =	sadd.s32 $0x8F2B, s0  }
0x34: {  	[sflag:s0] =	ssyncadd.remote.s32 $0x1  }
0x35: {  	_ =	sfence.sel $0xFFFF  }
0x36: {  	[dreg:$0x0] =	wrdreg $0xFFFFFFFF;
	(pc) =	sbr.abs _section_cstart, $3  }
0x37: {  	[dreg:$0x1] =	wrdreg $0xFFFFFFFF  }
0x38: {  	_ =	task.clear_ibuf [dreg:s6], $0x2FFFF;
	_ =	strace $0x9FFFFFFF  }
0x39: {  	(tm) =	ssettm $0x7FFFFFFF  }
tec
execute0_lowered:
.L_overlay_start_1:
0x0: {  	(tag) =	ssettag $0x1  }
0x1: {  	s4 =	rddreg [dreg:$0x0]  }
0x2: {  	s1 =	stileid.u32;
	s0 =	rddreg [dreg:$0x1];
	_ =	strace $0x80000050  }
0x3: {  	s5 =	srdreg.scid;
	s31 =	simm.s32 $0x2;
	s16 =	simm.s32 $0x0  }
0x4: {  	p0 =	por $0x0, $0x0;
	s9 =	simm.s32 $0x800;
	s15 =	simm.s32 $0x0  }
0x5: {  	s14 =	simm.s32 $0x0;
	s10 =	simm.s32 $0x0;
	s2 =	sshll.u32 s1, $0x7  }
0x6: {  	s13 =	simm.s32 $0x0;
	s3 =	sadd.s32 $0x305400, s4;
	s2 =	sand.u32 $0x80, s2  }
0x7: {  	s5 =	sshll.u32 s5, $0x4;
	s4 =	sadd.s32 $0x84400, s4;
	s6 =	ssub.s32 $0x100, s2  }
.Ltmp0:
0x8: {  	s5 =	sand.u32 $0x10, s5;
	s7 =	sshrl.u32 s6, $0x7;
	(pc) =	sbr.rel .LBB1_1-.Ltmp0, $4  }
0x9: {  	s5 =	sor.u32 s1, s5;
	s8 =	sshrl.u32 s6, $0x8;
	s7 =	sand.u32 $0x1, s7  }
0xa: {  	s12 =	smov.u32 s2;
	s6 =	simm.s32 $0x1;
	s7 =	sadd.s32 s8, s7  }
0xb: {  	s5 =	sshrl.u32 s5, $0x1;
	[sflag:s6] =	ssyncpa.u1 $0x0;
	s7 =	sshll.u32 s7, $0x4  }
0xc: {  	s11 =	smov.u32 s5;
	[sflag:s31] =	ssyncpa.u1 $0x0;
	s8 =	sor.u32 $0x1, s7  }
.LBB1_4:
0xd: {  	v5 =	vld [tilespmem:s19+$0xFFFFFFD0];
	[tilespmem:s20+$0x2040 ss:$0x81] =	vst.msk $0xffff, v1  }
0xe: {  	v58 =	vld [tilespmem:s19+$0xFFFFFFE0];
	[tilespmem:s20+$0x2850 ss:$0x81] =	vst.msk $0xffff, v2  }
0xf: {  	s21 =	sshra.s32 s21, $0x2;
	v59 =	vld [tilespmem:s19+$0xFFFFFFF0];
	[tilespmem:s20+$0x3060 ss:$0x81] =	vst.msk $0xffff, v3  }
0x10: {  	v60 =	vld [tilespmem:s19+$0x0];
	[tilespmem:s20+$0x0 ss:$0x81] =	vst.msk $0xffff, v0;
	s18 =	sadd.s32 s21, s18  }
0x11: {  	v61 =	vld [tilespmem:s19+$0x10];
	s25 =	sshll.u32 s16, $0x8;
	[tilespmem:s18+$0x3870 ss:$0x81] =	vst.msk $0xffff, v4  }
0x12: {  	s26 =	sshll.u32 s14, $0x3;
	v62 =	vld [tilespmem:s19+$0x20];
	s27 =	sshll.u32 s16, $0x7;
	s30 =	sand.u32 $0x78, s14;
	[tilespmem:s18+$0x810 ss:$0x81] =	vst.msk $0xffff, v5  }
0x13: {  	v63 =	vld [tilespmem:s19+$0xFFFFFFC0];
	s15 =	sshll.u32 s15, $0x10;
	s20 =	sand.u32 $0x7F800, s25;
	s21 =	sand.u32 $0x7FC00, s26;
	[tilespmem:s18+$0x1020 ss:$0x81] =	vst.msk $0xffff, v58  }
0x14: {  	s29 =	sand.u32 $0x300, s27;
	s16 =	sand.u32 $0x80, s27;
	s28 =	sadd.s32 s21, s20;
	[tilespmem:s18+$0x1830 ss:$0x81] =	vst.msk $0xffff, v59  }
0x15: {  	s31 =	sand.u32 $0x7, s14;
	s16 =	sor.u32 s30, s16;
	s19 =	sor.u32 s29, s28;
	[tilespmem:s18+$0x2040 ss:$0x81] =	vst.msk $0xffff, v60  }
0x16: {  	s15 =	sadd.s32 s4, s15;
	s16 =	sshrl.u32 s16, $0x3;
	s19 =	sshrl.u32 s19, $0x3;
	[tilespmem:s18+$0x2850 ss:$0x81] =	vst.msk $0xffff, v61  }
0x17: {  	s14 =	sshll.u32 s31, $0x12;
	s15 =	sadd.s32 s16, s15;
	[tilespmem:s18+$0x3060 ss:$0x81] =	vst.msk $0xffff, v62;
	s19 =	sand.u32 $0xFFE0, s19  }
0x18: {  	s14 =	sor.u32 $0x400, s14;
	[tilespmem:s18+$0x0 ss:$0x81] =	vst.msk $0xffff, v63;
	s15 =	sadd.s32 s19, s15  }
0x19: {  	[hbm4b:s15+s14] =	stream.strided.scatter [tilespmem:s17], [sflag:$0x2], $0x4000, s9, s14, $0x20;
	[tilespmem:$0x10100] =	vst v63  }
.LBB1_5:
0x1a: {  	s17 =	sadd.s32 $0x80, s10  }
0x1b: {  	s14 =	sadd.s32 $0x10, s11;
	s18 =	smov.u32 s11;
	p2 =	sgt.s32 s17, $0x7FF  }
0x1c: {  	s18 =	smov.u32 @p2 s14  }
0x1d: {  	s20 =	smov.u32 s12;
	s14 =	sadd.s32 $0x100, s12;
	p3 =	sgt.s32 s18, $0xF  }
0x1e: {  	s20 =	smov.u32 @p3 s14  }
0x1f: {  	s17 =	simm.s32 @p2 $0x0;
	p2 =	sgt.s32 s20, $0xFF  }
0x20: {  	p1 =	slt.u32 s13, $0x2;
	s20 =	smov.u32 @p2 s2;
	p2 =	sne.s32 s13, s8  }
.Ltmp1:
0x21: {  	s19 =	simm.s32 @!p1 $0x2;
	(pc) =	sbr.rel @!p2 .LBB1_6-.Ltmp1, $4  }
0x22: {  	s16 =	smov.u32 s10;
	s15 =	smov.u32 s11;
	_ =	swait.ge @!p1 [sflag:s19], $0x4000  }
0x23: {  	p0 =	por !p0, !p0;
	[sflag:s19] =	ssyncset.done @!p1 $0x0;
	s10 =	smov.u32 s17  }
0x24: {  	s18 =	smov.u32 @p3 s5;
	s14 =	smov.u32 s12;
	[sflag:s19] =	ssyncadd.s32 @!p1 $0xFFFFC000  }
0x25: {  	s11 =	smov.u32 s18;
	s13 =	sadd.s32 $0x1, s13;
	s12 =	smov.u32 s20  }
.LBB1_1:
0x26: {  	p1 =	sge.u32 s13, s7;
	s31 =	sadd.s32 $0xFFFFFFFF, s13  }
0x27: {  	s17 =	sxor.u32 @!p1 $0xFFFFFFFF, s13;
	s18 =	sand.u32 @!p1 $0x78, s10;
	s19 =	sshll.u32 @!p1 s11, $0xB  }
0x28: {  	s20 =	sshll.u32 @!p1 s11, $0x7;
	s21 =	sshll.u32 @!p1 s10, $0x3;
	s17 =	sshll.u32 @!p1 s17, $0xE  }
0x29: {  	s19 =	sand.u32 @!p1 $0x4000, s19;
	s20 =	sand.u32 @!p1 $0x380, s20;
	s17 =	sand.u32 @!p1 $0x4000, s17  }
0x2a: {  	s19 =	sadd.s32 @!p1 s19, s21;
	s21 =	sand.u32 @!p1 $0x400, s21;
	s18 =	sor.u32 @!p1 s20, s18  }
0x2b: {  	s20 =	sshll.u32 @!p1 s12, $0xC;
	s18 =	sor.u32 @!p1 s21, s18;
	s19 =	sshrl.u32 @!p1 s19, $0x3  }
0x2c: {  	s20 =	sadd.s32 @!p1 s3, s20;
	s21 =	sand.u32 @!p1 $0x7, s10;
	s19 =	sand.u32 @!p1 $0xF00, s19  }
0x2d: {  	s18 =	sshrl.u32 @!p1 s18, $0x3;
	s19 =	sadd.s32 @!p1 s19, s20;
	s20 =	sshll.u32 @!p1 s21, $0x12  }
0x2e: {  	s18 =	sadd.s32 @!p1 s18, s19;
	s19 =	sor.u32 @!p1 $0x80, s20;
	s20 =	simm.s32 @!p1 $0x8000  }
0x2f: {  	[tilespmem:s17], [sflag:$0x1] =	stream.strided.gather @!p1 [hbm4b:s18+s19], $0x4000, s20, s19, $0x38;
	[tilespmem:$0x10100] =	vst v63  }
0x30: {  	p1 =	sge.u32 s31, s7  }
.Ltmp2:
0x31: {  	_ = 	snop;
	(pc) =	sbr.rel @p1 .LBB1_5-.Ltmp2, $1  }
0x32: {  	_ =	sdelay $0x3  }
0x33: {  	s17 =	simm.s32 $0x1  }
0x34: {  	_ =	swait.ge [sflag:s6], $0x4000;
	s17 =	simm.s32 @!p0 $0x0  }
0x35: {  	[sflag:s6] =	ssyncset.done $0x0;
	s18 =	sshll.u32 s17, $0xE  }
0x36: {  	[sflag:s6] =	ssyncadd.s32 $0xFFFFC000;
	s19 =	sor.u32 $0x40, s18  }
0x37: {  	s17 =	smul.u32 $0x10200, s17;
	v0 =	vld [tilespmem:s19+$0x30]  }
0x38: {  	v3 =	vld [tilespmem:s19+$0xFFFFFFD0]  }
0x39: {  	s17 =	sshrl.u32 s17, $0x2;
	v4 =	vld [tilespmem:s19+$0xFFFFFFE0]  }
0x3a: {  	v5 =	vld [tilespmem:s19+$0xFFFFFFF0];
	s18 =	sor.u32 $0x8000, s17  }
0x3b: {  	s31 =	sand.u32 $0x1, s13;
	v1 =	vld [tilespmem:s19+$0x0];
	s20 =	sadd.s32 $0x0, s18  }
0x3c: {  	v2 =	vld [tilespmem:s19+$0x10];
	s17 =	smul.u32 $0x10200, s31;
	[tilespmem:s20+$0x3870 ss:$0x81] =	vst.msk $0xffff, v0  }
0x3d: {  	[tilespmem:s20+$0x810 ss:$0x81] =	vst.msk $0xffff, v3;
	v3 =	vld [tilespmem:s19+$0x20]  }
0x3e: {  	s17 =	sshrl.u32 s17, $0x2;
	v0 =	vld [tilespmem:s19+$0xFFFFFFC0];
	[tilespmem:s20+$0x1020 ss:$0x81] =	vst.msk $0xffff, v4;
	s19 =	sadd.s32 $0x80, s19  }
0x3f: {  	s21 =	simm.s32 $0x4;
	s22 =	simm.s32 $0x8;
	s17 =	sor.u32 $0x8000, s17;
	[tilespmem:s20+$0x1830 ss:$0x81] =	vst.msk $0xffff, v5;
	v4 =	vld [tilespmem:s19+$0x30]  }
.LBB1_3:
0x40: {  	p1 =	sne.s32 s22, $0x1FC;
	v5 =	vld [tilespmem:s19+$0xFFFFFFD0];
	[tilespmem:s20+$0x2040 ss:$0x81] =	vst.msk $0xffff, v1  }
0x41: {  	v6 =	vld [tilespmem:s19+$0xFFFFFFE0];
	[tilespmem:s20+$0x2850 ss:$0x81] =	vst.msk $0xffff, v2  }
0x42: {  	s23 =	sshra.s32 s21, $0x2;
	s21 =	smov.u32 s22;
	v7 =	vld [tilespmem:s19+$0xFFFFFFF0];
	[tilespmem:s20+$0x3060 ss:$0x81] =	vst.msk $0xffff, v3  }
.Ltmp3:
0x43: {  	v1 =	vld [tilespmem:s19+$0x0];
	[tilespmem:s20+$0x0 ss:$0x81] =	vst.msk $0xffff, v0;
	s20 =	sadd.s32 s23, s18;
	(pc) =	sbr.rel @p1 .LBB1_3-.Ltmp3, $4  }
0x44: {  	v2 =	vld [tilespmem:s19+$0x10];
	[tilespmem:s20+$0x3870 ss:$0x81] =	vst.msk $0xffff, v4  }
0x45: {  	[tilespmem:s20+$0x810 ss:$0x81] =	vst.msk $0xffff, v5;
	v3 =	vld [tilespmem:s19+$0x20]  }
0x46: {  	v0 =	vld [tilespmem:s19+$0xFFFFFFC0];
	[tilespmem:s20+$0x1020 ss:$0x81] =	vst.msk $0xffff, v6;
	s19 =	sadd.s32 $0x80, s19  }
0x47: {  	s22 =	sadd.s32 $0x4, s22;
	v4 =	vld [tilespmem:s19+$0x30];
	[tilespmem:s20+$0x1830 ss:$0x81] =	vst.msk $0xffff, v7  }
.Ltmp4:
0x48: {  	_ = 	snop;
	(pc) =	sbr.rel .LBB1_4-.Ltmp4, $1  }
0x49: {  	_ =	sdelay $0x3  }
.LBB1_6:
0x4a: {  	_ =	sfence.sel $0x180000  }
0x4b: {  	s2 =	simm.s32 $0x1;
	[bflag:$0x0] =	sbarrier.arrive $0xFFFF  }
0x4c: {  	s31 =	simm.s32 $0x2;
	[sflag:s2] =	ssyncpa.u1 $0x1  }
0x4d: {  	[sflag:s31] =	ssyncpa.u1 $0x1  }
0x4e: {  	p0 =	sne.s32 s1, $0x0;
	_ =	strace $0x90000050  }
0x4f: {  	s0 =	sadd.s32 @!p0 $0x100000, s0;
	[bflag:$0x2] =	sbarrier.arrive $0xFFFF  }
0x50: {  	[sflag:s0] =	ssyncadd.tile.s32 @!p0 $0x1;
	_ =	shalt  }
.Lfunc_end1:
_tile_overlayer_lowered:
.L_overlay_start_2:
0x51: {  	(tag) =	ssettag $0x2  }
0x52: {  	s0 =	rddreg [dreg:$0x0];
	s2 =	stileid.u32  }
0x53: {  	s1 =	rddreg [dreg:$0x1];
	p0 =	sne.s32 s2, $0x0  }
0x54: {  	s3 =	rddreg [dreg:$0x2];
	[bflag:$0x3] =	sbarrier.arrive $0xFFFF;
	s2 =	simm.s32 @!p0 $0x1C01  }
0x55: {  	[timem:s3], [sflag:s2] =	dma.local @!p0 [hbm:s0], s1  }
0x56: {  	s0 =	simm.s32 @!p0 $0x1  }
0x57: {  	_ =	swait.ge @!p0 [sflag:s0], s1  }
0x58: {  	s1 =	ssub.s32 @!p0 $0x0, s1;
	[sflag:s0] =	ssyncset.done @!p0 $0x0  }
0x59: {  	[sflag:s0] =	ssyncadd.s32 @!p0 s1  }
0x5a: {  	[bflag:$0x3] =	sbarrier.arrive $0xFFFF  }
0x5b: {  	_ =	shalt  }

// kernel: sparse-core-data-format-call.2.cloned.1.call-start
scs
called_computation.2_lowered:
.L_overlay_start_0:
0x0: {  	s2 =	sld [smem:$0x3FD9]  }
0x1: {  	s3 =	sld [smem:$0x3FFE];
	_ =	sdelay $0x1  }
0x2: {  	s1 =	srdreg.scid  }
0x3: {  	s0 =	sand.u32 $0x1, s1  }
0x4: {  	s18 =	sshll.u32 s0, $0xA;
	s2 =	sadd.s32 s3, s2  }
0x5: {  	s2 =	sadd.s32 s2, s18  }
0x6: {  	[smem:$0x3FB6] =	sst s2  }
0x7: {  	_ = 	snop  }
0x8: {  	(tm) =	ssettm $0x1  }
0x9: {  	s19 =	sld [smem:$0x3FFB];
	_ =	sdelay $0x3  }
0xa: {  	_ =	strace s19  }
0xb: {  	s2 =	sld [smem:$0x3FFC];
	_ =	sdelay $0x3  }
0xc: {  	_ =	strace s2  }
0xd: {  	s2 =	sld [smem:$0x3FFD];
	_ =	sdelay $0x3  }
0xe: {  	_ =	strace s2  }
0xf: {  	_ =	strace $0x8FFFFFFF  }
0x10: {  	s20 =	sld [smem:$0x3FDB];
	_ =	sdelay $0x1  }
0x11: {  	s21 =	simm.s32 $_scs_section_size  }
0x12: {  	s4 =	simm.s32 $_size__tile_overlayer_lowered;
	s5 =	simm.s32 $_tile_overlayer_lowered  }
0x13: {  	s6 =	simm.s32 $0x1BFF;
	s22 =	sshll.u32 s5, $0x1;
	s3 =	sadd.s32 s21, s20  }
0x14: {  	s23 =	simm.s32 $0x0;
	s4 =	sshll.u32 s4, $0x1;
	s5 =	sadd.s32 s22, s3  }
0x15: {  	[timem:s23], [sflag:s6] =	dma.local [hbm:s5], s4  }
0x16: {  	_ =	swait.ge [sflag:s6], s4  }
0x17: {  	s4 =	ssub.s32 $0x0, s4;
	[sflag:s6] =	ssyncset.done $0x0  }
0x18: {  	[sflag:s6] =	ssyncadd.s32 s4;
	_ =	sdelay $0x1  }
0x19: {  	s24 =	simm.s32 $0x1B8B  }
0x1a: {  	_ =	swait.ge [sflag:s24], $0x1  }
0x1b: {  	[sflag:s24] =	ssyncset.done $0x0  }
0x1c: {  	[sflag:s24] =	ssyncadd.s32 $0xFFFFFFFF  }
0x1d: {  	s4 =	sld [smem:$0x0]  }
0x1e: {  	s5 =	sand.u32 $0xFFFFFFFE, s1  }
0x1f: {  	p0 =	sne.s32 s1, s5  }
0x20: {  	s5 =	sshll.u32 @p0 s5, $0xE  }
0x21: {  	s5 =	sadd.s32 @p0 $0x11B8D, s5;
	s6 =	sshll.u32 @p0 s4, $0x11  }
0x22: {  	s5 =	sor.u32 @p0 s6, s5  }
0x23: {  	[sflag:s5] =	ssyncadd.remote.s32 @p0 $0x1;
	_ =	sdelay $0x1  }
0x24: {  	s5 =	simm.s32 @p0 $0x1B8D  }
0x25: {  	_ =	swait.eq @p0 [sflag:s5], $0x1  }
0x26: {  	[sflag:s5] =	ssyncadd.s32 @p0 $0xFFFFFFFF  }
0x27: {  	s6 =	sshll.u32 @!p0 s1, $0xE  }
0x28: {  	s6 =	sor.u32 @!p0 $0x4000, s6;
	s5 =	simm.s32 @!p0 $0x1B8D  }
0x29: {  	s4 =	sshll.u32 @!p0 s4, $0x11;
	s6 =	sadd.s32 @!p0 $0x11B8D, s6;
	_ =	swait.eq @!p0 [sflag:s5], $0x1  }
0x2a: {  	s4 =	sor.u32 @!p0 s4, s6;
	[sflag:s5] =	ssyncadd.s32 @!p0 $0xFFFFFFFF  }
0x2b: {  	s26 =	simm.s32 $0x1B8E;
	s25 =	sld [smem:$0x3FFE];
	[sflag:s4] =	ssyncadd.remote.s32 @!p0 $0x1  }
0x2c: {  	s27 =	simm.s32 $execute0_lowered;
	[smem:$0x3FD2] =	sst s26  }
0x2d: {  	s5 =	sshll.u32 s27, $0x1;
	_ =	strace $0x80000049;
	[dreg:$0x1] =	wrdreg $0xFFFFFFFF  }
0x2e: {  	s28 =	simm.s32 $_size_execute0_lowered;
	s3 =	sadd.s32 s3, s5;
	[dreg:$0x0] =	wrdreg $0x0  }
0x2f: {  	s5 =	sshll.u32 s28, $0x1;
	[dreg:$0x2] =	wrdreg s3  }
0x30: {  	[dreg:$0x3] =	wrdreg s5  }
0x31: {  	[dreg:$0x4] =	wrdreg $0xC0  }
0x32: {  	_ =	task [dreg:s23], $0x5FFFF  }
0x33: {  	[dreg:$0x1] =	wrdreg $0xFFFFFFFF  }
0x34: {  	[dreg:$0x0] =	wrdreg $0x60  }
0x35: {  	[dreg:$0x2] =	wrdreg s25  }
0x36: {  	[dreg:$0x3] =	wrdreg $0x9  }
0x37: {  	_ =	task.clear_ibuf [dreg:s23], $0x4FFFF;
	_ =	strace $0x90000049  }
0x38: {  	s29 =	simm.s32 $0x9;
	_ =	strace $0x8000004B  }
0x39: {  	_ =	swait.ge [sflag:s29], $0x1  }
0x3a: {  	[sflag:s29] =	ssyncadd.s32 $0xFFFFFFFF  }
0x3b: {  	_ =	strace $0x9000004B  }
0x3c: {  	_ =	sfence  }
0x3d: {  	s30 =	sld [smem:$0x0];
	_ =	sdelay $0x2  }
0x3e: {  	s31 =	sshll.u32 s1, $0xD;
	s1 =	sshrl.u32 s1, $0x2  }
0x3f: {  	s4 =	sand.u32 $0x4000, s31;
	s1 =	sadd.s32 s1, s30  }
0x40: {  	s0 =	sor.u32 s4, s0;
	s1 =	sshll.u32 s1, $0x11  }
0x41: {  	s0 =	sor.u32 s1, s0  }
0x42: {  	s0 =	sadd.s32 $0x8F2B, s0  }
0x43: {  	[sflag:s0] =	ssyncadd.remote.s32 $0x1  }
0x44: {  	_ =	sfence.sel $0xFFFF  }
0x45: {  	[dreg:$0x0] =	wrdreg $0xFFFFFFFF;
	(pc) =	sbr.abs _section_cstart, $3  }
0x46: {  	[dreg:$0x1] =	wrdreg $0xFFFFFFFF  }
0x47: {  	_ =	task.clear_ibuf [dreg:s23], $0x2FFFF;
	_ =	strace $0x9FFFFFFF  }
0x48: {  	(tm) =	ssettm $0x7FFFFFFF  }
0x49: {  	_ =	shalt  }
tec
execute0_lowered:
.L_overlay_start_1:
0x0: {  	(tag) =	ssettag $0x1  }
0x1: {  	s0 =	srdreg.scid;
	s3 =	rddreg [dreg:$0x0];
	s5 =	simm.s32 $0x1  }
0x2: {  	s7 =	simm.s32 $0x2;
	s14 =	simm.s32 $0x0;
	p0 =	por $0x0, $0x0  }
0x3: {  	s13 =	simm.s32 $0x0;
	s15 =	simm.s32 $0x0;
	s9 =	simm.s32 $0x0  }
0x4: {  	s11 =	stileid.u32;
	s12 =	simm.s32 $0x0;
	s1 =	sshll.u32 s0, $0x7  }
0x5: {  	s0 =	rddreg [dreg:$0x1];
	_ =	strace $0x8000004A;
	s1 =	sand.u32 $0x80, s1  }
.Ltmp0:
0x6: {  	s2 =	sadd.s32 $0x306400, s3;
	s6 =	ssub.s32 $0x800, s1;
	(pc) =	sbr.rel .LBB1_1-.Ltmp0, $4  }
0x7: {  	s4 =	sadd.s32 $0x406400, s3;
	[sflag:s5] =	ssyncpa.u1 $0x0;
	s31 =	sshrl.u32 s6, $0x7  }
0x8: {  	[sflag:s7] =	ssyncpa.u1 $0x0;
	s6 =	sshrl.u32 s6, $0x8;
	s3 =	sand.u32 $0x1, s31  }
0x9: {  	s10 =	smov.u32 s1;
	s8 =	sadd.s32 s6, s3;
	s3 =	stileid.u32  }
0xa: {  	s6 =	sshll.u32 s8, $0x1;
	s7 =	sshllo.u32 s8, $0x1;
	s8 =	simm.s32 $0x8000  }
.LBB1_4:
0xb: {  	v5 =	vld [tilespmem:s19+$0xFFFFFFD0];
	[tilespmem:s18+$0x2040 ss:$0x81] =	vst.msk $0xffff, v1  }
0xc: {  	v58 =	vld [tilespmem:s19+$0xFFFFFFE0];
	[tilespmem:s18+$0x2850 ss:$0x81] =	vst.msk $0xffff, v2  }
0xd: {  	s20 =	sshra.s32 s20, $0x2;
	v59 =	vld [tilespmem:s19+$0xFFFFFFF0];
	[tilespmem:s18+$0x3060 ss:$0x81] =	vst.msk $0xffff, v3  }
0xe: {  	v60 =	vld [tilespmem:s19+$0x0];
	[tilespmem:s18+$0x0 ss:$0x81] =	vst.msk $0xffff, v0;
	s17 =	sadd.s32 s20, s17  }
0xf: {  	v61 =	vld [tilespmem:s19+$0x10];
	[tilespmem:s17+$0x3870 ss:$0x81] =	vst.msk $0xffff, v4  }
0x10: {  	v62 =	vld [tilespmem:s19+$0x20];
	s25 =	sand.u32 $0x78, s13;
	s26 =	sshll.u32 s15, $0xB;
	s27 =	sshll.u32 s15, $0x7;
	[tilespmem:s17+$0x810 ss:$0x81] =	vst.msk $0xffff, v5  }
0x11: {  	v63 =	vld [tilespmem:s19+$0xFFFFFFC0];
	s29 =	sshll.u32 s13, $0x3;
	s14 =	sshll.u32 s14, $0xC;
	s28 =	sand.u32 $0x4000, s26;
	[tilespmem:s17+$0x1020 ss:$0x81] =	vst.msk $0xffff, v58  }
0x12: {  	s31 =	sand.u32 $0x7, s13;
	s15 =	sand.u32 $0x380, s27;
	s19 =	sadd.s32 s28, s29;
	[tilespmem:s17+$0x1830 ss:$0x81] =	vst.msk $0xffff, v59  }
0x13: {  	s20 =	sand.u32 $0x400, s29;
	s15 =	sor.u32 s15, s25;
	s30 =	sshrl.u32 s19, $0x3;
	[tilespmem:s17+$0x2040 ss:$0x81] =	vst.msk $0xffff, v60  }
0x14: {  	s14 =	sadd.s32 s4, s14;
	s15 =	sor.u32 s20, s15;
	s18 =	sand.u32 $0xF00, s30;
	[tilespmem:s17+$0x2850 ss:$0x81] =	vst.msk $0xffff, v61  }
0x15: {  	s13 =	sshll.u32 s31, $0x12;
	s15 =	sshrl.u32 s15, $0x3;
	[tilespmem:s17+$0x3060 ss:$0x81] =	vst.msk $0xffff, v62;
	s14 =	sadd.s32 s18, s14  }
0x16: {  	s13 =	sor.u32 $0x80, s13;
	[tilespmem:s17+$0x0 ss:$0x81] =	vst.msk $0xffff, v63;
	s14 =	sadd.s32 s15, s14  }
0x17: {  	[hbm4b:s14+s13] =	stream.strided.scatter [tilespmem:s16], [sflag:$0x2], $0x4000, s8, s13, $0x20;
	[tilespmem:$0x10100] =	vst v63  }
.LBB1_5:
0x18: {  	s16 =	sadd.s32 $0x80, s9  }
0x19: {  	s13 =	sadd.s32 $0x100, s10;
	s17 =	smov.u32 s10;
	p2 =	sgt.s32 s16, $0xFF  }
0x1a: {  	s17 =	smov.u32 @p2 s13  }
0x1b: {  	s19 =	smov.u32 s11;
	s13 =	sadd.s32 $0x10, s11;
	p3 =	sgt.s32 s17, $0x7FF  }
0x1c: {  	s19 =	smov.u32 @p3 s13  }
0x1d: {  	s16 =	simm.s32 @p2 $0x0;
	p2 =	sgt.s32 s19, $0xF  }
0x1e: {  	p1 =	slt.u32 s12, $0x2;
	s19 =	smov.u32 @p2 s3;
	p2 =	sne.s32 s12, s7  }
.Ltmp1:
0x1f: {  	s18 =	simm.s32 @!p1 $0x2;
	(pc) =	sbr.rel @!p2 .LBB1_6-.Ltmp1, $4  }
0x20: {  	s14 =	smov.u32 s9;
	s15 =	smov.u32 s11;
	_ =	swait.ge @!p1 [sflag:s18], $0x4000  }
0x21: {  	p0 =	por !p0, !p0;
	[sflag:s18] =	ssyncset.done @!p1 $0x0;
	s9 =	smov.u32 s16  }
0x22: {  	s17 =	smov.u32 @p3 s1;
	s13 =	smov.u32 s10;
	[sflag:s18] =	ssyncadd.s32 @!p1 $0xFFFFC000  }
0x23: {  	s10 =	smov.u32 s17;
	s12 =	sadd.s32 $0x1, s12;
	s11 =	smov.u32 s19  }
.LBB1_1:
0x24: {  	p1 =	sge.u32 s12, s6  }
0x25: {  	s31 =	sadd.s32 $0xFFFFFFFF, s12;
	s16 =	sxor.u32 @!p1 $0xFFFFFFFF, s12  }
0x26: {  	s17 =	sshll.u32 @!p1 s10, $0x8;
	s18 =	sshll.u32 @!p1 s9, $0x3;
	s19 =	sshll.u32 @!p1 s10, $0x7  }
0x27: {  	s20 =	sand.u32 @!p1 $0x78, s9;
	s17 =	sand.u32 @!p1 $0x7F800, s17;
	s18 =	sand.u32 @!p1 $0x7FC00, s18  }
0x28: {  	s16 =	sshll.u32 @!p1 s16, $0xE;
	s17 =	sadd.s32 @!p1 s17, s18;
	s18 =	sand.u32 @!p1 $0x300, s19  }
0x29: {  	s16 =	sand.u32 @!p1 $0x4000, s16;
	s17 =	sor.u32 @!p1 s18, s17;
	s18 =	sand.u32 @!p1 $0x80, s19  }
0x2a: {  	s19 =	sshll.u32 @!p1 s11, $0x10;
	s18 =	sor.u32 @!p1 s20, s18;
	s17 =	sshrl.u32 @!p1 s17, $0x3  }
0x2b: {  	s19 =	sadd.s32 @!p1 s2, s19;
	s20 =	sand.u32 @!p1 $0x7, s9;
	s18 =	sshrl.u32 @!p1 s18, $0x3  }
0x2c: {  	s17 =	sand.u32 @!p1 $0xFFE0, s17;
	s18 =	sadd.s32 @!p1 s18, s19;
	s19 =	sshll.u32 @!p1 s20, $0x12  }
0x2d: {  	s17 =	sadd.s32 @!p1 s17, s18;
	s18 =	sor.u32 @!p1 $0x400, s19;
	s19 =	simm.s32 @!p1 $0x800  }
0x2e: {  	[tilespmem:s16], [sflag:$0x1] =	stream.strided.gather @!p1 [hbm4b:s17+s18], $0x4000, s19, s18, $0x38;
	[tilespmem:$0x10100] =	vst v63  }
0x2f: {  	p1 =	sge.u32 s31, s6  }
.Ltmp2:
0x30: {  	_ = 	snop;
	(pc) =	sbr.rel @p1 .LBB1_5-.Ltmp2, $1  }
0x31: {  	_ =	sdelay $0x3  }
0x32: {  	s16 =	simm.s32 $0x1  }
0x33: {  	_ =	swait.ge [sflag:s5], $0x4000;
	s16 =	simm.s32 @!p0 $0x0  }
0x34: {  	[sflag:s5] =	ssyncset.done $0x0;
	s17 =	sshll.u32 s16, $0xE  }
0x35: {  	[sflag:s5] =	ssyncadd.s32 $0xFFFFC000;
	s19 =	sor.u32 $0x40, s17  }
0x36: {  	s16 =	smul.u32 $0x10200, s16;
	v0 =	vld [tilespmem:s19+$0x30]  }
0x37: {  	v3 =	vld [tilespmem:s19+$0xFFFFFFD0]  }
0x38: {  	s16 =	sshrl.u32 s16, $0x2;
	v4 =	vld [tilespmem:s19+$0xFFFFFFE0]  }
0x39: {  	v5 =	vld [tilespmem:s19+$0xFFFFFFF0];
	s17 =	sor.u32 $0x8000, s16  }
0x3a: {  	s31 =	sand.u32 $0x1, s12;
	v1 =	vld [tilespmem:s19+$0x0];
	s18 =	sadd.s32 $0x0, s17  }
0x3b: {  	v2 =	vld [tilespmem:s19+$0x10];
	s16 =	smul.u32 $0x10200, s31;
	[tilespmem:s18+$0x3870 ss:$0x81] =	vst.msk $0xffff, v0  }
0x3c: {  	[tilespmem:s18+$0x810 ss:$0x81] =	vst.msk $0xffff, v3;
	v3 =	vld [tilespmem:s19+$0x20]  }
0x3d: {  	s16 =	sshrl.u32 s16, $0x2;
	v0 =	vld [tilespmem:s19+$0xFFFFFFC0];
	[tilespmem:s18+$0x1020 ss:$0x81] =	vst.msk $0xffff, v4;
	s19 =	sadd.s32 $0x80, s19  }
0x3e: {  	s20 =	simm.s32 $0x4;
	s21 =	simm.s32 $0x8;
	s16 =	sor.u32 $0x8000, s16;
	[tilespmem:s18+$0x1830 ss:$0x81] =	vst.msk $0xffff, v5;
	v4 =	vld [tilespmem:s19+$0x30]  }
.LBB1_3:
0x3f: {  	p1 =	sne.s32 s21, $0x1FC;
	v5 =	vld [tilespmem:s19+$0xFFFFFFD0];
	[tilespmem:s18+$0x2040 ss:$0x81] =	vst.msk $0xffff, v1  }
0x40: {  	v6 =	vld [tilespmem:s19+$0xFFFFFFE0];
	[tilespmem:s18+$0x2850 ss:$0x81] =	vst.msk $0xffff, v2  }
0x41: {  	s22 =	sshra.s32 s20, $0x2;
	s20 =	smov.u32 s21;
	v7 =	vld [tilespmem:s19+$0xFFFFFFF0];
	[tilespmem:s18+$0x3060 ss:$0x81] =	vst.msk $0xffff, v3  }
.Ltmp3:
0x42: {  	v1 =	vld [tilespmem:s19+$0x0];
	[tilespmem:s18+$0x0 ss:$0x81] =	vst.msk $0xffff, v0;
	s18 =	sadd.s32 s22, s17;
	(pc) =	sbr.rel @p1 .LBB1_3-.Ltmp3, $4  }
0x43: {  	v2 =	vld [tilespmem:s19+$0x10];
	[tilespmem:s18+$0x3870 ss:$0x81] =	vst.msk $0xffff, v4  }
0x44: {  	[tilespmem:s18+$0x810 ss:$0x81] =	vst.msk $0xffff, v5;
	v3 =	vld [tilespmem:s19+$0x20]  }
0x45: {  	v0 =	vld [tilespmem:s19+$0xFFFFFFC0];
	[tilespmem:s18+$0x1020 ss:$0x81] =	vst.msk $0xffff, v6;
	s19 =	sadd.s32 $0x80, s19  }
0x46: {  	s21 =	sadd.s32 $0x4, s21;
	v4 =	vld [tilespmem:s19+$0x30];
	[tilespmem:s18+$0x1830 ss:$0x81] =	vst.msk $0xffff, v7  }
.Ltmp4:
0x47: {  	_ = 	snop;
	(pc) =	sbr.rel .LBB1_4-.Ltmp4, $1  }
0x48: {  	_ =	sdelay $0x3  }
.LBB1_6:
0x49: {  	_ =	sfence.sel $0x180000  }
0x4a: {  	s1 =	simm.s32 $0x1;
	[bflag:$0x0] =	sbarrier.arrive $0xFFFF  }
0x4b: {  	s31 =	simm.s32 $0x2;
	[sflag:s1] =	ssyncpa.u1 $0x1  }
0x4c: {  	[sflag:s31] =	ssyncpa.u1 $0x1  }
0x4d: {  	p0 =	sne.s32 s3, $0x0;
	_ =	strace $0x9000004A  }
0x4e: {  	s0 =	sadd.s32 @!p0 $0x100000, s0;
	[bflag:$0x2] =	sbarrier.arrive $0xFFFF  }
0x4f: {  	[sflag:s0] =	ssyncadd.tile.s32 @!p0 $0x1;
	_ =	shalt  }
.Lfunc_end1:
_tile_overlayer_lowered:
.L_overlay_start_2:
0x50: {  	(tag) =	ssettag $0x2  }
0x51: {  	s0 =	rddreg [dreg:$0x0];
	s2 =	stileid.u32  }
0x52: {  	s1 =	rddreg [dreg:$0x1];
	p0 =	sne.s32 s2, $0x0  }
0x53: {  	s3 =	rddreg [dreg:$0x2];
	[bflag:$0x3] =	sbarrier.arrive $0xFFFF;
	s2 =	simm.s32 @!p0 $0x1C01  }
0x54: {  	[timem:s3], [sflag:s2] =	dma.local @!p0 [hbm:s0], s1  }
0x55: {  	s0 =	simm.s32 @!p0 $0x1  }
0x56: {  	_ =	swait.ge @!p0 [sflag:s0], s1  }
0x57: {  	s1 =	ssub.s32 @!p0 $0x0, s1;
	[sflag:s0] =	ssyncset.done @!p0 $0x0  }
0x58: {  	[sflag:s0] =	ssyncadd.s32 @!p0 s1  }
0x59: {  	[bflag:$0x3] =	sbarrier.arrive $0xFFFF  }
0x5a: {  	_ =	shalt  }

// kernel: sparse-core-data-format-call.3.cloned.1.call-start
scs
called_computation.3_lowered:
.L_overlay_start_0:
0x0: {  	s1 =	sld [smem:$0x3FD9]  }
0x1: {  	s2 =	sld [smem:$0x3FFE];
	_ =	sdelay $0x1  }
0x2: {  	s3 =	srdreg.scid  }
0x3: {  	s0 =	sand.u32 $0x1, s3  }
0x4: {  	s17 =	sshll.u32 s0, $0xA;
	s1 =	sadd.s32 s2, s1  }
0x5: {  	s1 =	sadd.s32 s1, s17  }
0x6: {  	[smem:$0x3FB6] =	sst s1  }
0x7: {  	_ = 	snop  }
0x8: {  	(tm) =	ssettm $0x1  }
0x9: {  	s18 =	sld [smem:$0x3FFB];
	_ =	sdelay $0x3  }
0xa: {  	_ =	strace s18  }
0xb: {  	s1 =	sld [smem:$0x3FFC];
	_ =	sdelay $0x3  }
0xc: {  	_ =	strace s1  }
0xd: {  	s1 =	sld [smem:$0x3FFD];
	_ =	sdelay $0x3  }
0xe: {  	_ =	strace s1  }
0xf: {  	_ =	strace $0x8FFFFFFF  }
0x10: {  	s19 =	sld [smem:$0x3FDB];
	_ =	sdelay $0x1  }
0x11: {  	s20 =	simm.s32 $_scs_section_size  }
0x12: {  	s4 =	simm.s32 $_size__tile_overlayer_lowered;
	s5 =	simm.s32 $_tile_overlayer_lowered  }
0x13: {  	s23 =	simm.s32 $0x1BFF;
	s22 =	sshll.u32 s5, $0x1;
	s1 =	sadd.s32 s20, s19  }
0x14: {  	s6 =	simm.s32 $0x0;
	s21 =	sshll.u32 s4, $0x1;
	s4 =	sadd.s32 s22, s1  }
0x15: {  	[timem:s6], [sflag:s23] =	dma.local [hbm:s4], s21  }
0x16: {  	_ =	swait.ge [sflag:s23], s21  }
0x17: {  	s2 =	ssub.s32 $0x0, s21;
	[sflag:s23] =	ssyncset.done $0x0  }
0x18: {  	[sflag:s23] =	ssyncadd.s32 s2;
	_ =	sdelay $0x1  }
0x19: {  	s24 =	simm.s32 $0x1B8B  }
0x1a: {  	_ =	swait.ge [sflag:s24], $0x1  }
0x1b: {  	[sflag:s24] =	ssyncset.done $0x0  }
0x1c: {  	s26 =	simm.s32 $0x1B8E;
	s25 =	sld [smem:$0x3FFE];
	[sflag:s24] =	ssyncadd.s32 $0xFFFFFFFF  }
0x1d: {  	s27 =	simm.s32 $execute0_lowered;
	[smem:$0x3FD2] =	sst s26  }
0x1e: {  	s4 =	sshll.u32 s27, $0x1;
	_ =	strace $0x80000046;
	[dreg:$0x1] =	wrdreg $0xFFFFFFFF  }
0x1f: {  	s28 =	simm.s32 $_size_execute0_lowered;
	s1 =	sadd.s32 s1, s4;
	[dreg:$0x0] =	wrdreg $0x0  }
0x20: {  	s4 =	sshll.u32 s28, $0x1;
	[dreg:$0x2] =	wrdreg s1  }
0x21: {  	[dreg:$0x3] =	wrdreg s4  }
0x22: {  	[dreg:$0x4] =	wrdreg $0xC0  }
0x23: {  	_ =	task [dreg:s6], $0x5FFFF  }
0x24: {  	[dreg:$0x1] =	wrdreg $0xFFFFFFFF  }
0x25: {  	[dreg:$0x0] =	wrdreg $0x60  }
0x26: {  	[dreg:$0x2] =	wrdreg s25  }
0x27: {  	[dreg:$0x3] =	wrdreg $0xA  }
0x28: {  	_ =	task.clear_ibuf [dreg:s6], $0x4FFFF;
	_ =	strace $0x90000046  }
0x29: {  	s29 =	simm.s32 $0xA;
	_ =	strace $0x80000048  }
0x2a: {  	_ =	swait.ge [sflag:s29], $0x1  }
0x2b: {  	[sflag:s29] =	ssyncadd.s32 $0xFFFFFFFF  }
0x2c: {  	_ =	strace $0x90000048  }
0x2d: {  	_ =	sfence  }
0x2e: {  	s30 =	sld [smem:$0x0];
	_ =	sdelay $0x2  }
0x2f: {  	s31 =	sshll.u32 s3, $0xD;
	s3 =	sshrl.u32 s3, $0x2  }
0x30: {  	s2 =	sand.u32 $0x4000, s31;
	s1 =	sadd.s32 s3, s30  }
0x31: {  	s0 =	sor.u32 s2, s0;
	s1 =	sshll.u32 s1, $0x11  }
0x32: {  	s0 =	sor.u32 s1, s0  }
0x33: {  	s0 =	sadd.s32 $0x8F2B, s0  }
0x34: {  	[sflag:s0] =	ssyncadd.remote.s32 $0x1  }
0x35: {  	_ =	sfence.sel $0xFFFF  }
0x36: {  	[dreg:$0x0] =	wrdreg $0xFFFFFFFF;
	(pc) =	sbr.abs _section_cstart, $3  }
0x37: {  	[dreg:$0x1] =	wrdreg $0xFFFFFFFF  }
0x38: {  	_ =	task.clear_ibuf [dreg:s6], $0x2FFFF;
	_ =	strace $0x9FFFFFFF  }
0x39: {  	(tm) =	ssettm $0x7FFFFFFF  }
tec
execute0_lowered:
.L_overlay_start_1:
0x0: {  	(tag) =	ssettag $0x1  }
0x1: {  	s0 =	srdreg.scid;
	s3 =	rddreg [dreg:$0x0];
	s5 =	simm.s32 $0x1  }
0x2: {  	s7 =	simm.s32 $0x2;
	s14 =	simm.s32 $0x0;
	p0 =	por $0x0, $0x0  }
0x3: {  	s13 =	simm.s32 $0x0;
	s15 =	simm.s32 $0x0;
	s9 =	simm.s32 $0x0  }
0x4: {  	s11 =	stileid.u32;
	s12 =	simm.s32 $0x0;
	s1 =	sshll.u32 s0, $0x7  }
0x5: {  	s0 =	rddreg [dreg:$0x1];
	_ =	strace $0x80000047;
	s1 =	sand.u32 $0x80, s1  }
.Ltmp0:
0x6: {  	s2 =	sadd.s32 $0x85400, s3;
	s6 =	ssub.s32 $0x800, s1;
	(pc) =	sbr.rel .LBB1_1-.Ltmp0, $4  }
0x7: {  	s4 =	sadd.s32 $0x185400, s3;
	[sflag:s5] =	ssyncpa.u1 $0x0;
	s31 =	sshrl.u32 s6, $0x7  }
0x8: {  	[sflag:s7] =	ssyncpa.u1 $0x0;
	s6 =	sshrl.u32 s6, $0x8;
	s3 =	sand.u32 $0x1, s31  }
0x9: {  	s10 =	smov.u32 s1;
	s8 =	sadd.s32 s6, s3;
	s3 =	stileid.u32  }
0xa: {  	s6 =	sshll.u32 s8, $0x1;
	s7 =	sshllo.u32 s8, $0x1;
	s8 =	simm.s32 $0x8000  }
.LBB1_4:
0xb: {  	v5 =	vld [tilespmem:s19+$0xFFFFFFD0];
	[tilespmem:s18+$0x2040 ss:$0x81] =	vst.msk $0xffff, v1  }
0xc: {  	v58 =	vld [tilespmem:s19+$0xFFFFFFE0];
	[tilespmem:s18+$0x2850 ss:$0x81] =	vst.msk $0xffff, v2  }
0xd: {  	s20 =	sshra.s32 s20, $0x2;
	v59 =	vld [tilespmem:s19+$0xFFFFFFF0];
	[tilespmem:s18+$0x3060 ss:$0x81] =	vst.msk $0xffff, v3  }
0xe: {  	v60 =	vld [tilespmem:s19+$0x0];
	[tilespmem:s18+$0x0 ss:$0x81] =	vst.msk $0xffff, v0;
	s17 =	sadd.s32 s20, s17  }
0xf: {  	v61 =	vld [tilespmem:s19+$0x10];
	[tilespmem:s17+$0x3870 ss:$0x81] =	vst.msk $0xffff, v4  }
0x10: {  	v62 =	vld [tilespmem:s19+$0x20];
	s25 =	sand.u32 $0x78, s13;
	s26 =	sshll.u32 s15, $0xB;
	s27 =	sshll.u32 s15, $0x7;
	[tilespmem:s17+$0x810 ss:$0x81] =	vst.msk $0xffff, v5  }
0x11: {  	v63 =	vld [tilespmem:s19+$0xFFFFFFC0];
	s29 =	sshll.u32 s13, $0x3;
	s14 =	sshll.u32 s14, $0xC;
	s28 =	sand.u32 $0x4000, s26;
	[tilespmem:s17+$0x1020 ss:$0x81] =	vst.msk $0xffff, v58  }
0x12: {  	s31 =	sand.u32 $0x7, s13;
	s15 =	sand.u32 $0x380, s27;
	s19 =	sadd.s32 s28, s29;
	[tilespmem:s17+$0x1830 ss:$0x81] =	vst.msk $0xffff, v59  }
0x13: {  	s20 =	sand.u32 $0x400, s29;
	s15 =	sor.u32 s15, s25;
	s30 =	sshrl.u32 s19, $0x3;
	[tilespmem:s17+$0x2040 ss:$0x81] =	vst.msk $0xffff, v60  }
0x14: {  	s14 =	sadd.s32 s4, s14;
	s15 =	sor.u32 s20, s15;
	s18 =	sand.u32 $0xF00, s30;
	[tilespmem:s17+$0x2850 ss:$0x81] =	vst.msk $0xffff, v61  }
0x15: {  	s13 =	sshll.u32 s31, $0x12;
	s15 =	sshrl.u32 s15, $0x3;
	[tilespmem:s17+$0x3060 ss:$0x81] =	vst.msk $0xffff, v62;
	s14 =	sadd.s32 s18, s14  }
0x16: {  	s13 =	sor.u32 $0x80, s13;
	[tilespmem:s17+$0x0 ss:$0x81] =	vst.msk $0xffff, v63;
	s14 =	sadd.s32 s15, s14  }
0x17: {  	[hbm4b:s14+s13] =	stream.strided.scatter [tilespmem:s16], [sflag:$0x2], $0x4000, s8, s13, $0x20;
	[tilespmem:$0x10100] =	vst v63  }
.LBB1_5:
0x18: {  	s16 =	sadd.s32 $0x80, s9  }
0x19: {  	s13 =	sadd.s32 $0x100, s10;
	s17 =	smov.u32 s10;
	p2 =	sgt.s32 s16, $0xFF  }
0x1a: {  	s17 =	smov.u32 @p2 s13  }
0x1b: {  	s19 =	smov.u32 s11;
	s13 =	sadd.s32 $0x10, s11;
	p3 =	sgt.s32 s17, $0x7FF  }
0x1c: {  	s19 =	smov.u32 @p3 s13  }
0x1d: {  	s16 =	simm.s32 @p2 $0x0;
	p2 =	sgt.s32 s19, $0xF  }
0x1e: {  	p1 =	slt.u32 s12, $0x2;
	s19 =	smov.u32 @p2 s3;
	p2 =	sne.s32 s12, s7  }
.Ltmp1:
0x1f: {  	s18 =	simm.s32 @!p1 $0x2;
	(pc) =	sbr.rel @!p2 .LBB1_6-.Ltmp1, $4  }
0x20: {  	s14 =	smov.u32 s9;
	s15 =	smov.u32 s11;
	_ =	swait.ge @!p1 [sflag:s18], $0x4000  }
0x21: {  	p0 =	por !p0, !p0;
	[sflag:s18] =	ssyncset.done @!p1 $0x0;
	s9 =	smov.u32 s16  }
0x22: {  	s17 =	smov.u32 @p3 s1;
	s13 =	smov.u32 s10;
	[sflag:s18] =	ssyncadd.s32 @!p1 $0xFFFFC000  }
0x23: {  	s10 =	smov.u32 s17;
	s12 =	sadd.s32 $0x1, s12;
	s11 =	smov.u32 s19  }
.LBB1_1:
0x24: {  	p1 =	sge.u32 s12, s6  }
0x25: {  	s31 =	sadd.s32 $0xFFFFFFFF, s12;
	s16 =	sxor.u32 @!p1 $0xFFFFFFFF, s12  }
0x26: {  	s17 =	sshll.u32 @!p1 s10, $0x8;
	s18 =	sshll.u32 @!p1 s9, $0x3;
	s19 =	sshll.u32 @!p1 s10, $0x7  }
0x27: {  	s20 =	sand.u32 @!p1 $0x78, s9;
	s17 =	sand.u32 @!p1 $0x7F800, s17;
	s18 =	sand.u32 @!p1 $0x7FC00, s18  }
0x28: {  	s16 =	sshll.u32 @!p1 s16, $0xE;
	s17 =	sadd.s32 @!p1 s17, s18;
	s18 =	sand.u32 @!p1 $0x300, s19  }
0x29: {  	s16 =	sand.u32 @!p1 $0x4000, s16;
	s17 =	sor.u32 @!p1 s18, s17;
	s18 =	sand.u32 @!p1 $0x80, s19  }
0x2a: {  	s19 =	sshll.u32 @!p1 s11, $0x10;
	s18 =	sor.u32 @!p1 s20, s18;
	s17 =	sshrl.u32 @!p1 s17, $0x3  }
0x2b: {  	s19 =	sadd.s32 @!p1 s2, s19;
	s20 =	sand.u32 @!p1 $0x7, s9;
	s18 =	sshrl.u32 @!p1 s18, $0x3  }
0x2c: {  	s17 =	sand.u32 @!p1 $0xFFE0, s17;
	s18 =	sadd.s32 @!p1 s18, s19;
	s19 =	sshll.u32 @!p1 s20, $0x12  }
0x2d: {  	s17 =	sadd.s32 @!p1 s17, s18;
	s18 =	sor.u32 @!p1 $0x400, s19;
	s19 =	simm.s32 @!p1 $0x800  }
0x2e: {  	[tilespmem:s16], [sflag:$0x1] =	stream.strided.gather @!p1 [hbm4b:s17+s18], $0x4000, s19, s18, $0x38;
	[tilespmem:$0x10100] =	vst v63  }
0x2f: {  	p1 =	sge.u32 s31, s6  }
.Ltmp2:
0x30: {  	_ = 	snop;
	(pc) =	sbr.rel @p1 .LBB1_5-.Ltmp2, $1  }
0x31: {  	_ =	sdelay $0x3  }
0x32: {  	s16 =	simm.s32 $0x1  }
0x33: {  	_ =	swait.ge [sflag:s5], $0x4000;
	s16 =	simm.s32 @!p0 $0x0  }
0x34: {  	[sflag:s5] =	ssyncset.done $0x0;
	s17 =	sshll.u32 s16, $0xE  }
0x35: {  	[sflag:s5] =	ssyncadd.s32 $0xFFFFC000;
	s19 =	sor.u32 $0x40, s17  }
0x36: {  	s16 =	smul.u32 $0x10200, s16;
	v0 =	vld [tilespmem:s19+$0x30]  }
0x37: {  	v3 =	vld [tilespmem:s19+$0xFFFFFFD0]  }
0x38: {  	s16 =	sshrl.u32 s16, $0x2;
	v4 =	vld [tilespmem:s19+$0xFFFFFFE0]  }
0x39: {  	v5 =	vld [tilespmem:s19+$0xFFFFFFF0];
	s17 =	sor.u32 $0x8000, s16  }
0x3a: {  	s31 =	sand.u32 $0x1, s12;
	v1 =	vld [tilespmem:s19+$0x0];
	s18 =	sadd.s32 $0x0, s17  }
0x3b: {  	v2 =	vld [tilespmem:s19+$0x10];
	s16 =	smul.u32 $0x10200, s31;
	[tilespmem:s18+$0x3870 ss:$0x81] =	vst.msk $0xffff, v0  }
0x3c: {  	[tilespmem:s18+$0x810 ss:$0x81] =	vst.msk $0xffff, v3;
	v3 =	vld [tilespmem:s19+$0x20]  }
0x3d: {  	s16 =	sshrl.u32 s16, $0x2;
	v0 =	vld [tilespmem:s19+$0xFFFFFFC0];
	[tilespmem:s18+$0x1020 ss:$0x81] =	vst.msk $0xffff, v4;
	s19 =	sadd.s32 $0x80, s19  }
0x3e: {  	s20 =	simm.s32 $0x4;
	s21 =	simm.s32 $0x8;
	s16 =	sor.u32 $0x8000, s16;
	[tilespmem:s18+$0x1830 ss:$0x81] =	vst.msk $0xffff, v5;
	v4 =	vld [tilespmem:s19+$0x30]  }
.LBB1_3:
0x3f: {  	p1 =	sne.s32 s21, $0x1FC;
	v5 =	vld [tilespmem:s19+$0xFFFFFFD0];
	[tilespmem:s18+$0x2040 ss:$0x81] =	vst.msk $0xffff, v1  }
0x40: {  	v6 =	vld [tilespmem:s19+$0xFFFFFFE0];
	[tilespmem:s18+$0x2850 ss:$0x81] =	vst.msk $0xffff, v2  }
0x41: {  	s22 =	sshra.s32 s20, $0x2;
	s20 =	smov.u32 s21;
	v7 =	vld [tilespmem:s19+$0xFFFFFFF0];
	[tilespmem:s18+$0x3060 ss:$0x81] =	vst.msk $0xffff, v3  }
.Ltmp3:
0x42: {  	v1 =	vld [tilespmem:s19+$0x0];
	[tilespmem:s18+$0x0 ss:$0x81] =	vst.msk $0xffff, v0;
	s18 =	sadd.s32 s22, s17;
	(pc) =	sbr.rel @p1 .LBB1_3-.Ltmp3, $4  }
0x43: {  	v2 =	vld [tilespmem:s19+$0x10];
	[tilespmem:s18+$0x3870 ss:$0x81] =	vst.msk $0xffff, v4  }
0x44: {  	[tilespmem:s18+$0x810 ss:$0x81] =	vst.msk $0xffff, v5;
	v3 =	vld [tilespmem:s19+$0x20]  }
0x45: {  	v0 =	vld [tilespmem:s19+$0xFFFFFFC0];
	[tilespmem:s18+$0x1020 ss:$0x81] =	vst.msk $0xffff, v6;
	s19 =	sadd.s32 $0x80, s19  }
0x46: {  	s21 =	sadd.s32 $0x4, s21;
	v4 =	vld [tilespmem:s19+$0x30];
	[tilespmem:s18+$0x1830 ss:$0x81] =	vst.msk $0xffff, v7  }
.Ltmp4:
0x47: {  	_ = 	snop;
	(pc) =	sbr.rel .LBB1_4-.Ltmp4, $1  }
0x48: {  	_ =	sdelay $0x3  }
.LBB1_6:
0x49: {  	_ =	sfence.sel $0x180000  }
0x4a: {  	s1 =	simm.s32 $0x1;
	[bflag:$0x0] =	sbarrier.arrive $0xFFFF  }
0x4b: {  	s31 =	simm.s32 $0x2;
	[sflag:s1] =	ssyncpa.u1 $0x1  }
0x4c: {  	[sflag:s31] =	ssyncpa.u1 $0x1  }
0x4d: {  	p0 =	sne.s32 s3, $0x0;
	_ =	strace $0x90000047  }
0x4e: {  	s0 =	sadd.s32 @!p0 $0x100000, s0;
	[bflag:$0x2] =	sbarrier.arrive $0xFFFF  }
0x4f: {  	[sflag:s0] =	ssyncadd.tile.s32 @!p0 $0x1;
	_ =	shalt  }
.Lfunc_end1:
_tile_overlayer_lowered:
.L_overlay_start_2:
0x50: {  	(tag) =	ssettag $0x2  }
0x51: {  	s0 =	rddreg [dreg:$0x0];
	s2 =	stileid.u32  }
0x52: {  	s1 =	rddreg [dreg:$0x1];
	p0 =	sne.s32 s2, $0x0  }
0x53: {  	s3 =	rddreg [dreg:$0x2];
	[bflag:$0x3] =	sbarrier.arrive $0xFFFF;
	s2 =	simm.s32 @!p0 $0x1C01  }
0x54: {  	[timem:s3], [sflag:s2] =	dma.local @!p0 [hbm:s0], s1  }
0x55: {  	s0 =	simm.s32 @!p0 $0x1  }
0x56: {  	_ =	swait.ge @!p0 [sflag:s0], s1  }
0x57: {  	s1 =	ssub.s32 @!p0 $0x0, s1;
	[sflag:s0] =	ssyncset.done @!p0 $0x0  }
0x58: {  	[sflag:s0] =	ssyncadd.s32 @!p0 s1  }
0x59: {  	[bflag:$0x3] =	sbarrier.arrive $0xFFFF  }
0x5a: {  	_ =	shalt  }

// kernel: sparse-core-data-format-call.cloned.1.call-start
scs
called_computation_lowered:
.L_overlay_start_0:
0x0: {  	s2 =	sld [smem:$0x3FD9]  }
0x1: {  	s3 =	sld [smem:$0x3FFE];
	_ =	sdelay $0x1  }
0x2: {  	s1 =	srdreg.scid  }
0x3: {  	s0 =	sand.u32 $0x1, s1  }
0x4: {  	s18 =	sshll.u32 s0, $0xA;
	s2 =	sadd.s32 s3, s2  }
0x5: {  	s2 =	sadd.s32 s2, s18  }
0x6: {  	[smem:$0x3FB6] =	sst s2  }
0x7: {  	_ = 	snop  }
0x8: {  	(tm) =	ssettm $0x1  }
0x9: {  	s19 =	sld [smem:$0x3FFB];
	_ =	sdelay $0x3  }
0xa: {  	_ =	strace s19  }
0xb: {  	s2 =	sld [smem:$0x3FFC];
	_ =	sdelay $0x3  }
0xc: {  	_ =	strace s2  }
0xd: {  	s2 =	sld [smem:$0x3FFD];
	_ =	sdelay $0x3  }
0xe: {  	_ =	strace s2  }
0xf: {  	_ =	strace $0x8FFFFFFF  }
0x10: {  	s20 =	sld [smem:$0x3FDB];
	_ =	sdelay $0x1  }
0x11: {  	s21 =	simm.s32 $_scs_section_size  }
0x12: {  	s4 =	simm.s32 $_size__tile_overlayer_lowered;
	s5 =	simm.s32 $_tile_overlayer_lowered  }
0x13: {  	s6 =	simm.s32 $0x1BFF;
	s22 =	sshll.u32 s5, $0x1;
	s3 =	sadd.s32 s21, s20  }
0x14: {  	s23 =	simm.s32 $0x0;
	s4 =	sshll.u32 s4, $0x1;
	s5 =	sadd.s32 s22, s3  }
0x15: {  	[timem:s23], [sflag:s6] =	dma.local [hbm:s5], s4  }
0x16: {  	_ =	swait.ge [sflag:s6], s4  }
0x17: {  	s4 =	ssub.s32 $0x0, s4;
	[sflag:s6] =	ssyncset.done $0x0  }
0x18: {  	[sflag:s6] =	ssyncadd.s32 s4;
	_ =	sdelay $0x1  }
0x19: {  	s24 =	simm.s32 $0x1B8B  }
0x1a: {  	_ =	swait.ge [sflag:s24], $0x1  }
0x1b: {  	[sflag:s24] =	ssyncset.done $0x0  }
0x1c: {  	[sflag:s24] =	ssyncadd.s32 $0xFFFFFFFF  }
0x1d: {  	s4 =	sld [smem:$0x0]  }
0x1e: {  	s5 =	sand.u32 $0xFFFFFFFE, s1  }
0x1f: {  	p0 =	sne.s32 s1, s5  }
0x20: {  	s5 =	sshll.u32 @p0 s5, $0xE  }
0x21: {  	s5 =	sadd.s32 @p0 $0x11B8D, s5;
	s6 =	sshll.u32 @p0 s4, $0x11  }
0x22: {  	s5 =	sor.u32 @p0 s6, s5  }
0x23: {  	[sflag:s5] =	ssyncadd.remote.s32 @p0 $0x1;
	_ =	sdelay $0x1  }
0x24: {  	s5 =	simm.s32 @p0 $0x1B8D  }
0x25: {  	_ =	swait.eq @p0 [sflag:s5], $0x1  }
0x26: {  	[sflag:s5] =	ssyncadd.s32 @p0 $0xFFFFFFFF  }
0x27: {  	s6 =	sshll.u32 @!p0 s1, $0xE  }
0x28: {  	s6 =	sor.u32 @!p0 $0x4000, s6;
	s5 =	simm.s32 @!p0 $0x1B8D  }
0x29: {  	s4 =	sshll.u32 @!p0 s4, $0x11;
	s6 =	sadd.s32 @!p0 $0x11B8D, s6;
	_ =	swait.eq @!p0 [sflag:s5], $0x1  }
0x2a: {  	s4 =	sor.u32 @!p0 s4, s6;
	[sflag:s5] =	ssyncadd.s32 @!p0 $0xFFFFFFFF  }
0x2b: {  	s26 =	simm.s32 $0x1B8E;
	s25 =	sld [smem:$0x3FFE];
	[sflag:s4] =	ssyncadd.remote.s32 @!p0 $0x1  }
0x2c: {  	s27 =	simm.s32 $execute0_lowered;
	[smem:$0x3FD2] =	sst s26  }
0x2d: {  	s5 =	sshll.u32 s27, $0x1;
	_ =	strace $0x80000052;
	[dreg:$0x1] =	wrdreg $0xFFFFFFFF  }
0x2e: {  	s28 =	simm.s32 $_size_execute0_lowered;
	s3 =	sadd.s32 s3, s5;
	[dreg:$0x0] =	wrdreg $0x0  }
0x2f: {  	s5 =	sshll.u32 s28, $0x1;
	[dreg:$0x2] =	wrdreg s3  }
0x30: {  	[dreg:$0x3] =	wrdreg s5  }
0x31: {  	[dreg:$0x4] =	wrdreg $0xC0  }
0x32: {  	_ =	task [dreg:s23], $0x5FFFF  }
0x33: {  	[dreg:$0x1] =	wrdreg $0xFFFFFFFF  }
0x34: {  	[dreg:$0x0] =	wrdreg $0x60  }
0x35: {  	[dreg:$0x2] =	wrdreg s25  }
0x36: {  	[dreg:$0x3] =	wrdreg $0x9  }
0x37: {  	_ =	task.clear_ibuf [dreg:s23], $0x4FFFF;
	_ =	strace $0x90000052  }
0x38: {  	s29 =	simm.s32 $0x9;
	_ =	strace $0x80000054  }
0x39: {  	_ =	swait.ge [sflag:s29], $0x1  }
0x3a: {  	[sflag:s29] =	ssyncadd.s32 $0xFFFFFFFF  }
0x3b: {  	_ =	strace $0x90000054  }
0x3c: {  	_ =	sfence  }
0x3d: {  	s30 =	sld [smem:$0x0];
	_ =	sdelay $0x2  }
0x3e: {  	s31 =	sshll.u32 s1, $0xD;
	s1 =	sshrl.u32 s1, $0x2  }
0x3f: {  	s4 =	sand.u32 $0x4000, s31;
	s1 =	sadd.s32 s1, s30  }
0x40: {  	s0 =	sor.u32 s4, s0;
	s1 =	sshll.u32 s1, $0x11  }
0x41: {  	s0 =	sor.u32 s1, s0  }
0x42: {  	s0 =	sadd.s32 $0x8F2B, s0  }
0x43: {  	[sflag:s0] =	ssyncadd.remote.s32 $0x1  }
0x44: {  	_ =	sfence.sel $0xFFFF  }
0x45: {  	[dreg:$0x0] =	wrdreg $0xFFFFFFFF;
	(pc) =	sbr.abs _section_cstart, $3  }
0x46: {  	[dreg:$0x1] =	wrdreg $0xFFFFFFFF  }
0x47: {  	_ =	task.clear_ibuf [dreg:s23], $0x2FFFF;
	_ =	strace $0x9FFFFFFF  }
0x48: {  	(tm) =	ssettm $0x7FFFFFFF  }
0x49: {  	_ =	shalt  }
tec
execute0_lowered:
.L_overlay_start_1:
0x0: {  	(tag) =	ssettag $0x1  }
0x1: {  	s4 =	rddreg [dreg:$0x0]  }
0x2: {  	s1 =	stileid.u32;
	s0 =	rddreg [dreg:$0x1];
	_ =	strace $0x80000053  }
0x3: {  	s5 =	srdreg.scid;
	s31 =	simm.s32 $0x2;
	s16 =	simm.s32 $0x0  }
0x4: {  	p0 =	por $0x0, $0x0;
	s9 =	simm.s32 $0x800;
	s15 =	simm.s32 $0x0  }
0x5: {  	s14 =	simm.s32 $0x0;
	s10 =	simm.s32 $0x0;
	s2 =	sshll.u32 s1, $0x7  }
0x6: {  	s13 =	simm.s32 $0x0;
	s3 =	sadd.s32 $0x405400, s4;
	s2 =	sand.u32 $0x80, s2  }
0x7: {  	s5 =	sshll.u32 s5, $0x4;
	s4 =	sadd.s32 $0x184400, s4;
	s6 =	ssub.s32 $0x100, s2  }
.Ltmp0:
0x8: {  	s5 =	sand.u32 $0x10, s5;
	s7 =	sshrl.u32 s6, $0x7;
	(pc) =	sbr.rel .LBB1_1-.Ltmp0, $4  }
0x9: {  	s5 =	sor.u32 s1, s5;
	s8 =	sshrl.u32 s6, $0x8;
	s7 =	sand.u32 $0x1, s7  }
0xa: {  	s12 =	smov.u32 s2;
	s6 =	simm.s32 $0x1;
	s7 =	sadd.s32 s8, s7  }
0xb: {  	s5 =	sshrl.u32 s5, $0x1;
	[sflag:s6] =	ssyncpa.u1 $0x0;
	s7 =	sshll.u32 s7, $0x4  }
0xc: {  	s11 =	smov.u32 s5;
	[sflag:s31] =	ssyncpa.u1 $0x0;
	s8 =	sor.u32 $0x1, s7  }
.LBB1_4:
0xd: {  	v5 =	vld [tilespmem:s19+$0xFFFFFFD0];
	[tilespmem:s20+$0x2040 ss:$0x81] =	vst.msk $0xffff, v1  }
0xe: {  	v58 =	vld [tilespmem:s19+$0xFFFFFFE0];
	[tilespmem:s20+$0x2850 ss:$0x81] =	vst.msk $0xffff, v2  }
0xf: {  	s21 =	sshra.s32 s21, $0x2;
	v59 =	vld [tilespmem:s19+$0xFFFFFFF0];
	[tilespmem:s20+$0x3060 ss:$0x81] =	vst.msk $0xffff, v3  }
0x10: {  	v60 =	vld [tilespmem:s19+$0x0];
	[tilespmem:s20+$0x0 ss:$0x81] =	vst.msk $0xffff, v0;
	s18 =	sadd.s32 s21, s18  }
0x11: {  	v61 =	vld [tilespmem:s19+$0x10];
	s25 =	sshll.u32 s16, $0x8;
	[tilespmem:s18+$0x3870 ss:$0x81] =	vst.msk $0xffff, v4  }
0x12: {  	s26 =	sshll.u32 s14, $0x3;
	v62 =	vld [tilespmem:s19+$0x20];
	s27 =	sshll.u32 s16, $0x7;
	s30 =	sand.u32 $0x78, s14;
	[tilespmem:s18+$0x810 ss:$0x81] =	vst.msk $0xffff, v5  }
0x13: {  	v63 =	vld [tilespmem:s19+$0xFFFFFFC0];
	s15 =	sshll.u32 s15, $0x10;
	s20 =	sand.u32 $0x7F800, s25;
	s21 =	sand.u32 $0x7FC00, s26;
	[tilespmem:s18+$0x1020 ss:$0x81] =	vst.msk $0xffff, v58  }
0x14: {  	s29 =	sand.u32 $0x300, s27;
	s16 =	sand.u32 $0x80, s27;
	s28 =	sadd.s32 s21, s20;
	[tilespmem:s18+$0x1830 ss:$0x81] =	vst.msk $0xffff, v59  }
0x15: {  	s31 =	sand.u32 $0x7, s14;
	s16 =	sor.u32 s30, s16;
	s19 =	sor.u32 s29, s28;
	[tilespmem:s18+$0x2040 ss:$0x81] =	vst.msk $0xffff, v60  }
0x16: {  	s15 =	sadd.s32 s4, s15;
	s16 =	sshrl.u32 s16, $0x3;
	s19 =	sshrl.u32 s19, $0x3;
	[tilespmem:s18+$0x2850 ss:$0x81] =	vst.msk $0xffff, v61  }
0x17: {  	s14 =	sshll.u32 s31, $0x12;
	s15 =	sadd.s32 s16, s15;
	[tilespmem:s18+$0x3060 ss:$0x81] =	vst.msk $0xffff, v62;
	s19 =	sand.u32 $0xFFE0, s19  }
0x18: {  	s14 =	sor.u32 $0x400, s14;
	[tilespmem:s18+$0x0 ss:$0x81] =	vst.msk $0xffff, v63;
	s15 =	sadd.s32 s19, s15  }
0x19: {  	[hbm4b:s15+s14] =	stream.strided.scatter [tilespmem:s17], [sflag:$0x2], $0x4000, s9, s14, $0x20;
	[tilespmem:$0x10100] =	vst v63  }
.LBB1_5:
0x1a: {  	s17 =	sadd.s32 $0x80, s10  }
0x1b: {  	s14 =	sadd.s32 $0x10, s11;
	s18 =	smov.u32 s11;
	p2 =	sgt.s32 s17, $0x7FF  }
0x1c: {  	s18 =	smov.u32 @p2 s14  }
0x1d: {  	s20 =	smov.u32 s12;
	s14 =	sadd.s32 $0x100, s12;
	p3 =	sgt.s32 s18, $0xF  }
0x1e: {  	s20 =	smov.u32 @p3 s14  }
0x1f: {  	s17 =	simm.s32 @p2 $0x0;
	p2 =	sgt.s32 s20, $0xFF  }
0x20: {  	p1 =	slt.u32 s13, $0x2;
	s20 =	smov.u32 @p2 s2;
	p2 =	sne.s32 s13, s8  }
.Ltmp1:
0x21: {  	s19 =	simm.s32 @!p1 $0x2;
	(pc) =	sbr.rel @!p2 .LBB1_6-.Ltmp1, $4  }
0x22: {  	s16 =	smov.u32 s10;
	s15 =	smov.u32 s11;
	_ =	swait.ge @!p1 [sflag:s19], $0x4000  }
0x23: {  	p0 =	por !p0, !p0;
	[sflag:s19] =	ssyncset.done @!p1 $0x0;
	s10 =	smov.u32 s17  }
0x24: {  	s18 =	smov.u32 @p3 s5;
	s14 =	smov.u32 s12;
	[sflag:s19] =	ssyncadd.s32 @!p1 $0xFFFFC000  }
0x25: {  	s11 =	smov.u32 s18;
	s13 =	sadd.s32 $0x1, s13;
	s12 =	smov.u32 s20  }
.LBB1_1:
0x26: {  	p1 =	sge.u32 s13, s7;
	s31 =	sadd.s32 $0xFFFFFFFF, s13  }
0x27: {  	s17 =	sxor.u32 @!p1 $0xFFFFFFFF, s13;
	s18 =	sand.u32 @!p1 $0x78, s10;
	s19 =	sshll.u32 @!p1 s11, $0xB  }
0x28: {  	s20 =	sshll.u32 @!p1 s11, $0x7;
	s21 =	sshll.u32 @!p1 s10, $0x3;
	s17 =	sshll.u32 @!p1 s17, $0xE  }
0x29: {  	s19 =	sand.u32 @!p1 $0x4000, s19;
	s20 =	sand.u32 @!p1 $0x380, s20;
	s17 =	sand.u32 @!p1 $0x4000, s17  }
0x2a: {  	s19 =	sadd.s32 @!p1 s19, s21;
	s21 =	sand.u32 @!p1 $0x400, s21;
	s18 =	sor.u32 @!p1 s20, s18  }
0x2b: {  	s20 =	sshll.u32 @!p1 s12, $0xC;
	s18 =	sor.u32 @!p1 s21, s18;
	s19 =	sshrl.u32 @!p1 s19, $0x3  }
0x2c: {  	s20 =	sadd.s32 @!p1 s3, s20;
	s21 =	sand.u32 @!p1 $0x7, s10;
	s19 =	sand.u32 @!p1 $0xF00, s19  }
0x2d: {  	s18 =	sshrl.u32 @!p1 s18, $0x3;
	s19 =	sadd.s32 @!p1 s19, s20;
	s20 =	sshll.u32 @!p1 s21, $0x12  }
0x2e: {  	s18 =	sadd.s32 @!p1 s18, s19;
	s19 =	sor.u32 @!p1 $0x80, s20;
	s20 =	simm.s32 @!p1 $0x8000  }
0x2f: {  	[tilespmem:s17], [sflag:$0x1] =	stream.strided.gather @!p1 [hbm4b:s18+s19], $0x4000, s20, s19, $0x38;
	[tilespmem:$0x10100] =	vst v63  }
0x30: {  	p1 =	sge.u32 s31, s7  }
.Ltmp2:
0x31: {  	_ = 	snop;
	(pc) =	sbr.rel @p1 .LBB1_5-.Ltmp2, $1  }
0x32: {  	_ =	sdelay $0x3  }
0x33: {  	s17 =	simm.s32 $0x1  }
0x34: {  	_ =	swait.ge [sflag:s6], $0x4000;
	s17 =	simm.s32 @!p0 $0x0  }
0x35: {  	[sflag:s6] =	ssyncset.done $0x0;
	s18 =	sshll.u32 s17, $0xE  }
0x36: {  	[sflag:s6] =	ssyncadd.s32 $0xFFFFC000;
	s19 =	sor.u32 $0x40, s18  }
0x37: {  	s17 =	smul.u32 $0x10200, s17;
	v0 =	vld [tilespmem:s19+$0x30]  }
0x38: {  	v3 =	vld [tilespmem:s19+$0xFFFFFFD0]  }
0x39: {  	s17 =	sshrl.u32 s17, $0x2;
	v4 =	vld [tilespmem:s19+$0xFFFFFFE0]  }
0x3a: {  	v5 =	vld [tilespmem:s19+$0xFFFFFFF0];
	s18 =	sor.u32 $0x8000, s17  }
0x3b: {  	s31 =	sand.u32 $0x1, s13;
	v1 =	vld [tilespmem:s19+$0x0];
	s20 =	sadd.s32 $0x0, s18  }
0x3c: {  	v2 =	vld [tilespmem:s19+$0x10];
	s17 =	smul.u32 $0x10200, s31;
	[tilespmem:s20+$0x3870 ss:$0x81] =	vst.msk $0xffff, v0  }
0x3d: {  	[tilespmem:s20+$0x810 ss:$0x81] =	vst.msk $0xffff, v3;
	v3 =	vld [tilespmem:s19+$0x20]  }
0x3e: {  	s17 =	sshrl.u32 s17, $0x2;
	v0 =	vld [tilespmem:s19+$0xFFFFFFC0];
	[tilespmem:s20+$0x1020 ss:$0x81] =	vst.msk $0xffff, v4;
	s19 =	sadd.s32 $0x80, s19  }
0x3f: {  	s21 =	simm.s32 $0x4;
	s22 =	simm.s32 $0x8;
	s17 =	sor.u32 $0x8000, s17;
	[tilespmem:s20+$0x1830 ss:$0x81] =	vst.msk $0xffff, v5;
	v4 =	vld [tilespmem:s19+$0x30]  }
.LBB1_3:
0x40: {  	p1 =	sne.s32 s22, $0x1FC;
	v5 =	vld [tilespmem:s19+$0xFFFFFFD0];
	[tilespmem:s20+$0x2040 ss:$0x81] =	vst.msk $0xffff, v1  }
0x41: {  	v6 =	vld [tilespmem:s19+$0xFFFFFFE0];
	[tilespmem:s20+$0x2850 ss:$0x81] =	vst.msk $0xffff, v2  }
0x42: {  	s23 =	sshra.s32 s21, $0x2;
	s21 =	smov.u32 s22;
	v7 =	vld [tilespmem:s19+$0xFFFFFFF0];
	[tilespmem:s20+$0x3060 ss:$0x81] =	vst.msk $0xffff, v3  }
.Ltmp3:
0x43: {  	v1 =	vld [tilespmem:s19+$0x0];
	[tilespmem:s20+$0x0 ss:$0x81] =	vst.msk $0xffff, v0;
	s20 =	sadd.s32 s23, s18;
	(pc) =	sbr.rel @p1 .LBB1_3-.Ltmp3, $4  }
0x44: {  	v2 =	vld [tilespmem:s19+$0x10];
	[tilespmem:s20+$0x3870 ss:$0x81] =	vst.msk $0xffff, v4  }
0x45: {  	[tilespmem:s20+$0x810 ss:$0x81] =	vst.msk $0xffff, v5;
	v3 =	vld [tilespmem:s19+$0x20]  }
0x46: {  	v0 =	vld [tilespmem:s19+$0xFFFFFFC0];
	[tilespmem:s20+$0x1020 ss:$0x81] =	vst.msk $0xffff, v6;
	s19 =	sadd.s32 $0x80, s19  }
0x47: {  	s22 =	sadd.s32 $0x4, s22;
	v4 =	vld [tilespmem:s19+$0x30];
	[tilespmem:s20+$0x1830 ss:$0x81] =	vst.msk $0xffff, v7  }
.Ltmp4:
0x48: {  	_ = 	snop;
	(pc) =	sbr.rel .LBB1_4-.Ltmp4, $1  }
0x49: {  	_ =	sdelay $0x3  }
.LBB1_6:
0x4a: {  	_ =	sfence.sel $0x180000  }
0x4b: {  	s2 =	simm.s32 $0x1;
	[bflag:$0x0] =	sbarrier.arrive $0xFFFF  }
0x4c: {  	s31 =	simm.s32 $0x2;
	[sflag:s2] =	ssyncpa.u1 $0x1  }
0x4d: {  	[sflag:s31] =	ssyncpa.u1 $0x1  }
0x4e: {  	p0 =	sne.s32 s1, $0x0;
	_ =	strace $0x90000053  }
0x4f: {  	s0 =	sadd.s32 @!p0 $0x100000, s0;
	[bflag:$0x2] =	sbarrier.arrive $0xFFFF  }
0x50: {  	[sflag:s0] =	ssyncadd.tile.s32 @!p0 $0x1;
	_ =	shalt  }
.Lfunc_end1:
_tile_overlayer_lowered:
.L_overlay_start_2:
0x51: {  	(tag) =	ssettag $0x2  }
0x52: {  	s0 =	rddreg [dreg:$0x0];
	s2 =	stileid.u32  }
0x53: {  	s1 =	rddreg [dreg:$0x1];
	p0 =	sne.s32 s2, $0x0  }
0x54: {  	s3 =	rddreg [dreg:$0x2];
	[bflag:$0x3] =	sbarrier.arrive $0xFFFF;
	s2 =	simm.s32 @!p0 $0x1C01  }
0x55: {  	[timem:s3], [sflag:s2] =	dma.local @!p0 [hbm:s0], s1  }
0x56: {  	s0 =	simm.s32 @!p0 $0x1  }
0x57: {  	_ =	swait.ge @!p0 [sflag:s0], s1  }
0x58: {  	s1 =	ssub.s32 @!p0 $0x0, s1;
	[sflag:s0] =	ssyncset.done @!p0 $0x0  }
0x59: {  	[sflag:s0] =	ssyncadd.s32 @!p0 s1  }
0x5a: {  	[bflag:$0x3] =	sbarrier.arrive $0xFFFF  }
0x5b: {  	_ =	shalt  }

</sc_bundles>
